<compile_context>
chip_gen: v7x
topology: tpu7x:2x2x1
jax: 0.10.2.dev20260603
libtpu: 0.0.44.dev20260713+nightly
codegen_flags: <defaults>
</compile_context>

<pallas_src>
import functools

import jax
import jax.numpy as jnp
from jax import lax
from jax.experimental import pallas as pl
from jax.experimental.pallas import tpu as pltpu
from jax.experimental.pallas import tpu_sc as plsc

N_NODES = 10000
D_FEAT = 128
HALF = 64
N_EDGES = 320000
NC = 2
NS = 16
CHUNK = 128
NH = 4
CH_PER_HALF = 40
CH_PER_TILE = NH * CH_PER_HALF
E_TILE = CHUNK * CH_PER_TILE
E_PAD = E_TILE * NS
ROWS_PAD = 10240
ROWS_TILE = ROWS_PAD // NS
X_TILE = N_NODES // NS
ZCHUNK = 16
WEIGHT = 0.1


def _sc_agg(xh, src2, dst2):
    mesh = plsc.VectorSubcoreMesh(core_axis_name="c", subcore_axis_name="s")

    @functools.partial(
        pl.kernel,
        out_type=jax.ShapeDtypeStruct((NC, ROWS_PAD, HALF), jnp.float32),
        mesh=mesh,
        scratch_types=[
            pltpu.VMEM((CH_PER_HALF, CHUNK), jnp.int32),
            pltpu.VMEM((CH_PER_HALF, CHUNK), jnp.int32),
            pltpu.VMEM((CHUNK, HALF), jnp.float32),
            pltpu.VMEM((CHUNK, HALF), jnp.float32),
            pltpu.VMEM((CHUNK, HALF), jnp.float32),
            pltpu.VMEM((CHUNK, HALF), jnp.float32),
            pltpu.VMEM_SHARED((N_NODES, HALF), jnp.float32),
            pltpu.VMEM_SHARED((ROWS_PAD, HALF), jnp.float32),
            [pltpu.SemaphoreType.DMA] * 4,
            [pltpu.SemaphoreType.DMA] * 4,
        ],
        compiler_params=pltpu.CompilerParams(use_tc_tiling_on_sc=False),
    )
    def k(xh_hbm, src_hbm, dst_hbm, out_hbm, src_v, dst_v, rows_a, rows_b,
          rows_c, rows_d, xs, acc, sem_g, sem_s):
        c = lax.axis_index("c")
        s = lax.axis_index("s")
        row0 = s * ROWS_TILE

        x0 = s * X_TILE
        pltpu.sync_copy(xh_hbm.at[pl.ds(x0, X_TILE), pl.ds(c * HALF, HALF)],
                        xs.at[pl.ds(x0, X_TILE)])

        zero = jnp.zeros((16,), jnp.float32)

        def zrow(i, _):
            for j in range(HALF // 16):
                rows_a[i, pl.ds(j * 16, 16)] = zero
            return 0

        lax.fori_loop(0, CHUNK, zrow, 0)
        nz = ROWS_TILE // CHUNK
        for r in range(nz):
            pltpu.async_copy(rows_a, acc.at[pl.ds(row0 + r * CHUNK, CHUNK)],
                             sem_g[r % 4])
        for r in range(nz):
            pltpu.make_async_copy(
                rows_a, acc.at[pl.ds(row0 + r * CHUNK, CHUNK)],
                sem_g[r % 4]).wait()
        plsc.subcore_barrier()

        bufs = (rows_a, rows_b, rows_c, rows_d)
        NQ = CH_PER_HALF // 4

        def gissue(j, b):
            pltpu.async_copy(xs.at[src_v.at[j]], bufs[b], sem_g[b])

        def gwait(b):
            pltpu.make_async_copy(xs.at[src_v.at[0]], bufs[b], sem_g[b]).wait()

        def sissue(j, b):
            pltpu.async_copy(bufs[b], acc.at[dst_v.at[j]], sem_s[b], add=True)

        def swait(b):
            pltpu.make_async_copy(bufs[b], acc.at[dst_v.at[0]], sem_s[b]).wait()

        for h in range(NH):
            pltpu.sync_copy(src_hbm.at[s, h], src_v)
            pltpu.sync_copy(dst_hbm.at[s, h], dst_v)
            gissue(0, 0)
            gissue(1, 1)

            def quad(jj, _):
                j = 4 * jj
                gwait(0)
                sissue(j, 0)

                @pl.when(jj > 0)
                def _():
                    swait(2)

                gissue(j + 2, 2)
                gwait(1)
                sissue(j + 1, 1)

                @pl.when(jj > 0)
                def _():
                    swait(3)

                gissue(j + 3, 3)
                gwait(2)
                sissue(j + 2, 2)
                swait(0)

                @pl.when(jj + 1 < NQ)
                def _():
                    gissue(j + 4, 0)

                gwait(3)
                sissue(j + 3, 3)
                swait(1)

                @pl.when(jj + 1 < NQ)
                def _():
                    gissue(j + 5, 1)

                return 0

            lax.fori_loop(0, NQ, quad, 0)
            swait(2)
            swait(3)

        plsc.subcore_barrier()

        pltpu.sync_copy(acc.at[pl.ds(row0, ROWS_TILE)],
                        out_hbm.at[c, pl.ds(row0, ROWS_TILE)])

    return k(xh, src2, dst2)


def _combine(x, p):
    def body(x_ref, p_ref, o_ref):
        w = jnp.float32(WEIGHT)
        o_ref[:, :HALF] = x_ref[:, :HALF] + w * p_ref[0]
        o_ref[:, HALF:] = x_ref[:, HALF:] + w * p_ref[1]

    return pl.pallas_call(
        body,
        out_shape=jax.ShapeDtypeStruct((N_NODES, D_FEAT), jnp.float32),
        grid=(10,),
        in_specs=[
            pl.BlockSpec((1000, D_FEAT), lambda i: (i, 0)),
            pl.BlockSpec((NC, 1000, HALF), lambda i: (0, i, 0)),
        ],
        out_specs=pl.BlockSpec((1000, D_FEAT), lambda i: (i, 0)),
    )(x, p)


@jax.jit
def kernel(x, edge_index):
    src = edge_index[0]
    dst = edge_index[1]
    srcp = jnp.pad(src, (0, E_PAD - N_EDGES))
    dstp = jnp.pad(dst, (0, E_PAD - N_EDGES), constant_values=N_NODES)
    src2 = srcp.reshape(NS, NH, CH_PER_HALF, CHUNK)
    dst2 = dstp.reshape(NS, NH, CH_PER_HALF, CHUNK)
    p = _sc_agg(x, src2, dst2)
    return _combine(x, p)

# --- scband reference (transcript-rebuilt; emitter-appended) ---
"""Pipeline reference for scband-agg-bp-appr-49168785605031 (READ-ONLY COPY).

The authoritative reference and input builder live on the scoring server;
editing this copy changes nothing except your own understanding.
"""

import jax, jax.numpy as jnp
import numpy as np

N_NODES = 10000
N_EDGES = 320000
D_FEAT = 128
WEIGHT = 0.1


def setup_inputs(seed: int = 0) -> dict:
    key = jax.random.key(seed)
    k1, k2 = jax.random.split(key)
    x = jax.random.normal(k1, (N_NODES, D_FEAT), dtype=jnp.float32)
    edge_index = jax.random.randint(k2, (2, N_EDGES), 0, N_NODES, dtype=jnp.int32)
    return {"x": x, "edge_index": edge_index}


def reference(x, edge_index):
    # MessagePassing(aggr='add'), flow source_to_target:
    # out[i] = sum over edges (src -> i) of x[src]
    src = edge_index[0]
    dst = edge_index[1]
    msgs = jnp.take(x, src, axis=0)            # message: x_j (gather)
    out = jax.ops.segment_sum(msgs, dst, num_segments=N_NODES)  # aggr='add' (scatter-add)
    # update: identity; module forward: x + constant * out
    return x + WEIGHT * out

if __name__ == "__main__":
    import jax
    _d = setup_inputs()
    print(jax.jit(kernel)(*tuple(_d.values())))

</pallas_src>

<mosaic_0001>
#map = affine_map<(d0, d1) -> (0, 0)>
#map1 = affine_map<(d0, d1) -> (0, 0, 0, 0)>
#map2 = affine_map<(d0, d1) -> (0, 0, 0)>
module attributes {stable_mosaic.version = 14 : i64} {
  func.func @k(%arg0: i32, %arg1: i32, %arg2: memref<10000x128xf32, #tpu.memory_space<hbm>>, %arg3: memref<16x4x40x128xi32, #tpu.memory_space<hbm>>, %arg4: memref<16x4x40x128xi32, #tpu.memory_space<hbm>>, %arg5: memref<2x10240x64xf32, #tpu.memory_space<hbm>>, %arg6: memref<40x128xi32, #tpu.memory_space<vmem>>, %arg7: memref<40x128xi32, #tpu.memory_space<vmem>>, %arg8: memref<128x64xf32, #tpu.memory_space<vmem>>, %arg9: memref<128x64xf32, #tpu.memory_space<vmem>>, %arg10: memref<128x64xf32, #tpu.memory_space<vmem>>, %arg11: memref<128x64xf32, #tpu.memory_space<vmem>>, %arg12: memref<10000x64xf32, #tpu.memory_space<vmem_shared>>, %arg13: memref<10240x64xf32, #tpu.memory_space<vmem_shared>>, %arg14: memref<!tpu.dma_semaphore, #tpu.memory_space<semaphore_mem>>, %arg15: memref<!tpu.dma_semaphore, #tpu.memory_space<semaphore_mem>>, %arg16: memref<!tpu.dma_semaphore, #tpu.memory_space<semaphore_mem>>, %arg17: memref<!tpu.dma_semaphore, #tpu.memory_space<semaphore_mem>>, %arg18: memref<!tpu.dma_semaphore, #tpu.memory_space<semaphore_mem>>, %arg19: memref<!tpu.dma_semaphore, #tpu.memory_space<semaphore_mem>>, %arg20: memref<!tpu.dma_semaphore, #tpu.memory_space<semaphore_mem>>, %arg21: memref<!tpu.dma_semaphore, #tpu.memory_space<semaphore_mem>>) attributes {dimension_semantics = [#tpu.dimension_semantics<core_parallel>, #tpu.dimension_semantics<subcore_parallel>], iteration_bounds = array<i64: 2, 16>, scalar_prefetch = 0 : i64, scratch_operands = 16 : i64, tpu.core_type = #tpu.core_type<sc_vector_subcore>, window_params = [{transform_indices = #map}, {transform_indices = #map1}, {transform_indices = #map1}, {transform_indices = #map2}]} {
    %mul3A = arith.constant 640 : i32
    %mul3A_0 = arith.muli %arg1, %mul3A : i32
    %mul3A_1 = arith.constant 625 : i32
    %mul3A_2 = arith.muli %arg1, %mul3A_1 : i32
    %mul3A_3 = arith.constant 64 : i32
    %mul3A_4 = arith.muli %arg0, %mul3A_3 : i32
    "tpu.region"() ({
      %run_scoped3A_217 = tpu.sem_alloc : memref<!tpu.dma_semaphore, #tpu.memory_space<semaphore_mem>>
      %dma_start3A_218 = arith.constant 0 : i32
      %dma_start3A_219 = tpu.memref_slice %arg12[%mul3A_2, %dma_start3A_218] : memref<10000x64xf32, #tpu.memory_space<vmem_shared>> -> memref<625x64xf32, #tpu.memory_space<vmem_shared>>
      %dma_start3A_220 = tpu.memref_slice %arg2[%mul3A_2, %mul3A_4] : memref<10000x128xf32, #tpu.memory_space<hbm>> -> memref<625x64xf32, #tpu.memory_space<hbm>>
      tpu.enqueue_dma source(%dma_start3A_220 : memref<625x64xf32, #tpu.memory_space<hbm>>) target(%dma_start3A_219 : memref<625x64xf32, #tpu.memory_space<vmem_shared>>) target_semaphore(%run_scoped3A_217 : memref<!tpu.dma_semaphore, #tpu.memory_space<semaphore_mem>>)
      %dma_wait3A_221 = arith.constant 0 : i32
      %dma_wait3A_222 = tpu.memref_slice %arg12[%mul3A_2, %dma_wait3A_221] : memref<10000x64xf32, #tpu.memory_space<vmem_shared>> -> memref<625x64xf32, #tpu.memory_space<vmem_shared>>
      %dma_wait3A_223 = tpu.memref_slice %arg2[%mul3A_2, %mul3A_4] : memref<10000x128xf32, #tpu.memory_space<hbm>> -> memref<625x64xf32, #tpu.memory_space<hbm>>
      tpu.wait_dma2 semaphore(%run_scoped3A_217 : memref<!tpu.dma_semaphore, #tpu.memory_space<semaphore_mem>>) src(%dma_wait3A_223 : memref<625x64xf32, #tpu.memory_space<hbm>>) dst(%dma_wait3A_222 : memref<625x64xf32, #tpu.memory_space<vmem_shared>>)
      tpu.yield
    }) : () -> ()
    %broadcast_in_dim3A = arith.constant 0.000000e+00 : f32
    %broadcast_in_dim3A_5 = vector.broadcast %broadcast_in_dim3A : f32 to vector<16xf32>
    %scan3A = arith.constant 0 : i32
    %scan3A_6 = arith.constant 0 : i32
    %scan3A_7 = arith.constant 128 : i32
    %scan3A_8 = arith.addi %scan3A_6, %scan3A_7 : i32
    %scan3A_9 = arith.constant 1 : i32
    %scan3A_10 = scf.for %scan3A_217 = %scan3A_6 to %scan3A_8 step %scan3A_9 iter_args(%scan3A_218 = %scan3A) -> (i32)  : i32 {
      %swap3A = arith.index_cast %scan3A_217 : i32 to index
      %swap3A_219 = arith.constant 0 : index
      %swap3A_220 = tpu.vector_load %arg8[%swap3A, %swap3A_219] {strides = array<i32>} : memref<128x64xf32, #tpu.memory_space<vmem>>, vector<1x16xf32>,
      %swap3A_221 = vector.shape_cast %swap3A_220 : vector<1x16xf32> to vector<16xf32>
      %swap3A_222 = vector.shape_cast %broadcast_in_dim3A_5 : vector<16xf32> to vector<1x16xf32>
      tpu.vector_store %arg8[%swap3A, %swap3A_219], %swap3A_222 {strides = array<i32>} : memref<128x64xf32, #tpu.memory_space<vmem>>, vector<1x16xf32>,
      %swap3A_223 = arith.index_cast %scan3A_217 : i32 to index
      %swap3A_224 = arith.constant 16 : index
      %swap3A_225 = tpu.vector_load %arg8[%swap3A_223, %swap3A_224] {strides = array<i32>} : memref<128x64xf32, #tpu.memory_space<vmem>>, vector<1x16xf32>,
      %swap3A_226 = vector.shape_cast %swap3A_225 : vector<1x16xf32> to vector<16xf32>
      %swap3A_227 = vector.shape_cast %broadcast_in_dim3A_5 : vector<16xf32> to vector<1x16xf32>
      tpu.vector_store %arg8[%swap3A_223, %swap3A_224], %swap3A_227 {strides = array<i32>} : memref<128x64xf32, #tpu.memory_space<vmem>>, vector<1x16xf32>,
      %swap3A_228 = arith.index_cast %scan3A_217 : i32 to index
      %swap3A_229 = arith.constant 32 : index
      %swap3A_230 = tpu.vector_load %arg8[%swap3A_228, %swap3A_229] {strides = array<i32>} : memref<128x64xf32, #tpu.memory_space<vmem>>, vector<1x16xf32>,
      %swap3A_231 = vector.shape_cast %swap3A_230 : vector<1x16xf32> to vector<16xf32>
      %swap3A_232 = vector.shape_cast %broadcast_in_dim3A_5 : vector<16xf32> to vector<1x16xf32>
      tpu.vector_store %arg8[%swap3A_228, %swap3A_229], %swap3A_232 {strides = array<i32>} : memref<128x64xf32, #tpu.memory_space<vmem>>, vector<1x16xf32>,
      %swap3A_233 = arith.index_cast %scan3A_217 : i32 to index
      %swap3A_234 = arith.constant 48 : index
      %swap3A_235 = tpu.vector_load %arg8[%swap3A_233, %swap3A_234] {strides = array<i32>} : memref<128x64xf32, #tpu.memory_space<vmem>>, vector<1x16xf32>,
      %swap3A_236 = vector.shape_cast %swap3A_235 : vector<1x16xf32> to vector<16xf32>
      %swap3A_237 = vector.shape_cast %broadcast_in_dim3A_5 : vector<16xf32> to vector<1x16xf32>
      tpu.vector_store %arg8[%swap3A_233, %swap3A_234], %swap3A_237 {strides = array<i32>} : memref<128x64xf32, #tpu.memory_space<vmem>>, vector<1x16xf32>,
      %scan3A_238 = arith.constant 0 : i32
      scf.yield %scan3A_238 : i32
    }
    %scan3A_11 = arith.constant 128 : i32
    %add3A = arith.constant 0 : i32
    %add3A_12 = arith.addi %mul3A_0, %add3A : i32
    %dma_start3A = arith.constant 0 : i32
    %dma_start3A_13 = tpu.memref_slice %arg13[%add3A_12, %dma_start3A] : memref<10240x64xf32, #tpu.memory_space<vmem_shared>> -> memref<128x64xf32, #tpu.memory_space<vmem_shared>>
    %dma_start3A_14 = arith.constant 0 : i32
    %dma_start3A_15 = tpu.memref_slice %arg13[%add3A_12, %dma_start3A_14] : memref<10240x64xf32, #tpu.memory_space<vmem_shared>> -> memref<128x64xf32, #tpu.memory_space<vmem_shared>>
    tpu.enqueue_dma source(%arg8 : memref<128x64xf32, #tpu.memory_space<vmem>>) target(%dma_start3A_15 : memref<128x64xf32, #tpu.memory_space<vmem_shared>>) target_semaphore(%arg14 : memref<!tpu.dma_semaphore, #tpu.memory_space<semaphore_mem>>)
    %add3A_16 = arith.constant 128 : i32
    %add3A_17 = arith.addi %mul3A_0, %add3A_16 : i32
    %dma_start3A_18 = arith.constant 0 : i32
    %dma_start3A_19 = tpu.memref_slice %arg13[%add3A_17, %dma_start3A_18] : memref<10240x64xf32, #tpu.memory_space<vmem_shared>> -> memref<128x64xf32, #tpu.memory_space<vmem_shared>>
    %dma_start3A_20 = arith.constant 0 : i32
    %dma_start3A_21 = tpu.memref_slice %arg13[%add3A_17, %dma_start3A_20] : memref<10240x64xf32, #tpu.memory_space<vmem_shared>> -> memref<128x64xf32, #tpu.memory_space<vmem_shared>>
    tpu.enqueue_dma source(%arg8 : memref<128x64xf32, #tpu.memory_space<vmem>>) target(%dma_start3A_21 : memref<128x64xf32, #tpu.memory_space<vmem_shared>>) target_semaphore(%arg15 : memref<!tpu.dma_semaphore, #tpu.memory_space<semaphore_mem>>)
    %add3A_22 = arith.constant 256 : i32
    %add3A_23 = arith.addi %mul3A_0, %add3A_22 : i32
    %dma_start3A_24 = arith.constant 0 : i32
    %dma_start3A_25 = tpu.memref_slice %arg13[%add3A_23, %dma_start3A_24] : memref<10240x64xf32, #tpu.memory_space<vmem_shared>> -> memref<128x64xf32, #tpu.memory_space<vmem_shared>>
    %dma_start3A_26 = arith.constant 0 : i32
    %dma_start3A_27 = tpu.memref_slice %arg13[%add3A_23, %dma_start3A_26] : memref<10240x64xf32, #tpu.memory_space<vmem_shared>> -> memref<128x64xf32, #tpu.memory_space<vmem_shared>>
    tpu.enqueue_dma source(%arg8 : memref<128x64xf32, #tpu.memory_space<vmem>>) target(%dma_start3A_27 : memref<128x64xf32, #tpu.memory_space<vmem_shared>>) target_semaphore(%arg16 : memref<!tpu.dma_semaphore, #tpu.memory_space<semaphore_mem>>)
    %add3A_28 = arith.constant 384 : i32
    %add3A_29 = arith.addi %mul3A_0, %add3A_28 : i32
    %dma_start3A_30 = arith.constant 0 : i32
    %dma_start3A_31 = tpu.memref_slice %arg13[%add3A_29, %dma_start3A_30] : memref<10240x64xf32, #tpu.memory_space<vmem_shared>> -> memref<128x64xf32, #tpu.memory_space<vmem_shared>>
    %dma_start3A_32 = arith.constant 0 : i32
    %dma_start3A_33 = tpu.memref_slice %arg13[%add3A_29, %dma_start3A_32] : memref<10240x64xf32, #tpu.memory_space<vmem_shared>> -> memref<128x64xf32, #tpu.memory_space<vmem_shared>>
    tpu.enqueue_dma source(%arg8 : memref<128x64xf32, #tpu.memory_space<vmem>>) target(%dma_start3A_33 : memref<128x64xf32, #tpu.memory_space<vmem_shared>>) target_semaphore(%arg17 : memref<!tpu.dma_semaphore, #tpu.memory_space<semaphore_mem>>)
    %add3A_34 = arith.constant 512 : i32
    %add3A_35 = arith.addi %mul3A_0, %add3A_34 : i32
    %dma_start3A_36 = arith.constant 0 : i32
    %dma_start3A_37 = tpu.memref_slice %arg13[%add3A_35, %dma_start3A_36] : memref<10240x64xf32, #tpu.memory_space<vmem_shared>> -> memref<128x64xf32, #tpu.memory_space<vmem_shared>>
    %dma_start3A_38 = arith.constant 0 : i32
    %dma_start3A_39 = tpu.memref_slice %arg13[%add3A_35, %dma_start3A_38] : memref<10240x64xf32, #tpu.memory_space<vmem_shared>> -> memref<128x64xf32, #tpu.memory_space<vmem_shared>>
    tpu.enqueue_dma source(%arg8 : memref<128x64xf32, #tpu.memory_space<vmem>>) target(%dma_start3A_39 : memref<128x64xf32, #tpu.memory_space<vmem_shared>>) target_semaphore(%arg14 : memref<!tpu.dma_semaphore, #tpu.memory_space<semaphore_mem>>)
    %add3A_40 = arith.constant 0 : i32
    %add3A_41 = arith.addi %mul3A_0, %add3A_40 : i32
    %dma_wait3A = arith.constant 0 : i32
    %dma_wait3A_42 = tpu.memref_slice %arg13[%add3A_41, %dma_wait3A] : memref<10240x64xf32, #tpu.memory_space<vmem_shared>> -> memref<128x64xf32, #tpu.memory_space<vmem_shared>>
    %dma_wait3A_43 = arith.constant 0 : i32
    %dma_wait3A_44 = tpu.memref_slice %arg13[%add3A_41, %dma_wait3A_43] : memref<10240x64xf32, #tpu.memory_space<vmem_shared>> -> memref<128x64xf32, #tpu.memory_space<vmem_shared>>
    tpu.wait_dma2 semaphore(%arg14 : memref<!tpu.dma_semaphore, #tpu.memory_space<semaphore_mem>>) src(%arg8 : memref<128x64xf32, #tpu.memory_space<vmem>>) dst(%dma_wait3A_44 : memref<128x64xf32, #tpu.memory_space<vmem_shared>>)
    %add3A_45 = arith.constant 128 : i32
    %add3A_46 = arith.addi %mul3A_0, %add3A_45 : i32
    %dma_wait3A_47 = arith.constant 0 : i32
    %dma_wait3A_48 = tpu.memref_slice %arg13[%add3A_46, %dma_wait3A_47] : memref<10240x64xf32, #tpu.memory_space<vmem_shared>> -> memref<128x64xf32, #tpu.memory_space<vmem_shared>>
    %dma_wait3A_49 = arith.constant 0 : i32
    %dma_wait3A_50 = tpu.memref_slice %arg13[%add3A_46, %dma_wait3A_49] : memref<10240x64xf32, #tpu.memory_space<vmem_shared>> -> memref<128x64xf32, #tpu.memory_space<vmem_shared>>
    tpu.wait_dma2 semaphore(%arg15 : memref<!tpu.dma_semaphore, #tpu.memory_space<semaphore_mem>>) src(%arg8 : memref<128x64xf32, #tpu.memory_space<vmem>>) dst(%dma_wait3A_50 : memref<128x64xf32, #tpu.memory_space<vmem_shared>>)
    %add3A_51 = arith.constant 256 : i32
    %add3A_52 = arith.addi %mul3A_0, %add3A_51 : i32
    %dma_wait3A_53 = arith.constant 0 : i32
    %dma_wait3A_54 = tpu.memref_slice %arg13[%add3A_52, %dma_wait3A_53] : memref<10240x64xf32, #tpu.memory_space<vmem_shared>> -> memref<128x64xf32, #tpu.memory_space<vmem_shared>>
    %dma_wait3A_55 = arith.constant 0 : i32
    %dma_wait3A_56 = tpu.memref_slice %arg13[%add3A_52, %dma_wait3A_55] : memref<10240x64xf32, #tpu.memory_space<vmem_shared>> -> memref<128x64xf32, #tpu.memory_space<vmem_shared>>
    tpu.wait_dma2 semaphore(%arg16 : memref<!tpu.dma_semaphore, #tpu.memory_space<semaphore_mem>>) src(%arg8 : memref<128x64xf32, #tpu.memory_space<vmem>>) dst(%dma_wait3A_56 : memref<128x64xf32, #tpu.memory_space<vmem_shared>>)
    %add3A_57 = arith.constant 384 : i32
    %add3A_58 = arith.addi %mul3A_0, %add3A_57 : i32
    %dma_wait3A_59 = arith.constant 0 : i32
    %dma_wait3A_60 = tpu.memref_slice %arg13[%add3A_58, %dma_wait3A_59] : memref<10240x64xf32, #tpu.memory_space<vmem_shared>> -> memref<128x64xf32, #tpu.memory_space<vmem_shared>>
    %dma_wait3A_61 = arith.constant 0 : i32
    %dma_wait3A_62 = tpu.memref_slice %arg13[%add3A_58, %dma_wait3A_61] : memref<10240x64xf32, #tpu.memory_space<vmem_shared>> -> memref<128x64xf32, #tpu.memory_space<vmem_shared>>
    tpu.wait_dma2 semaphore(%arg17 : memref<!tpu.dma_semaphore, #tpu.memory_space<semaphore_mem>>) src(%arg8 : memref<128x64xf32, #tpu.memory_space<vmem>>) dst(%dma_wait3A_62 : memref<128x64xf32, #tpu.memory_space<vmem_shared>>)
    %add3A_63 = arith.constant 512 : i32
    %add3A_64 = arith.addi %mul3A_0, %add3A_63 : i32
    %dma_wait3A_65 = arith.constant 0 : i32
    %dma_wait3A_66 = tpu.memref_slice %arg13[%add3A_64, %dma_wait3A_65] : memref<10240x64xf32, #tpu.memory_space<vmem_shared>> -> memref<128x64xf32, #tpu.memory_space<vmem_shared>>
    %dma_wait3A_67 = arith.constant 0 : i32
    %dma_wait3A_68 = tpu.memref_slice %arg13[%add3A_64, %dma_wait3A_67] : memref<10240x64xf32, #tpu.memory_space<vmem_shared>> -> memref<128x64xf32, #tpu.memory_space<vmem_shared>>
    tpu.wait_dma2 semaphore(%arg14 : memref<!tpu.dma_semaphore, #tpu.memory_space<semaphore_mem>>) src(%arg8 : memref<128x64xf32, #tpu.memory_space<vmem>>) dst(%dma_wait3A_68 : memref<128x64xf32, #tpu.memory_space<vmem_shared>>)
    %barrier3A = arith.constant 0 : index
    tpu.barrier barrier_id(%barrier3A)
    %run_scoped3A = arith.constant 0 : i32
    "tpu.region"() ({
      %run_scoped3A_217 = tpu.sem_alloc : memref<!tpu.dma_semaphore, #tpu.memory_space<semaphore_mem>>
      %dma_start3A_218 = arith.constant 0 : i32
      %dma_start3A_219 = arith.constant 0 : i32
      %dma_start3A_220 = tpu.memref_slice %arg3[%arg1, %run_scoped3A, %dma_start3A_218, %dma_start3A_219] : memref<16x4x40x128xi32, #tpu.memory_space<hbm>> -> memref<1x1x40x128xi32, #tpu.memory_space<hbm>>
      %dma_start3A_221 = tpu.memref_squeeze %dma_start3A_220 : memref<1x1x40x128xi32, #tpu.memory_space<hbm>> -> memref<40x128xi32, #tpu.memory_space<hbm>>
      %dma_start3A_222 = arith.constant 0 : i32
      %dma_start3A_223 = arith.constant 0 : i32
      %dma_start3A_224 = tpu.memref_slice %arg3[%arg1, %run_scoped3A, %dma_start3A_222, %dma_start3A_223] : memref<16x4x40x128xi32, #tpu.memory_space<hbm>> -> memref<1x1x40x128xi32, #tpu.memory_space<hbm>>
      %dma_start3A_225 = tpu.memref_squeeze %dma_start3A_224 : memref<1x1x40x128xi32, #tpu.memory_space<hbm>> -> memref<40x128xi32, #tpu.memory_space<hbm>>
      tpu.enqueue_dma source(%dma_start3A_225 : memref<40x128xi32, #tpu.memory_space<hbm>>) target(%arg6 : memref<40x128xi32, #tpu.memory_space<vmem>>) target_semaphore(%run_scoped3A_217 : memref<!tpu.dma_semaphore, #tpu.memory_space<semaphore_mem>>)
      %dma_wait3A_226 = arith.constant 0 : i32
      %dma_wait3A_227 = arith.constant 0 : i32
      %dma_wait3A_228 = tpu.memref_slice %arg3[%arg1, %run_scoped3A, %dma_wait3A_226, %dma_wait3A_227] : memref<16x4x40x128xi32, #tpu.memory_space<hbm>> -> memref<1x1x40x128xi32, #tpu.memory_space<hbm>>
      %dma_wait3A_229 = tpu.memref_squeeze %dma_wait3A_228 : memref<1x1x40x128xi32, #tpu.memory_space<hbm>> -> memref<40x128xi32, #tpu.memory_space<hbm>>
      %dma_wait3A_230 = arith.constant 0 : i32
      %dma_wait3A_231 = arith.constant 0 : i32
      %dma_wait3A_232 = tpu.memref_slice %arg3[%arg1, %run_scoped3A, %dma_wait3A_230, %dma_wait3A_231] : memref<16x4x40x128xi32, #tpu.memory_space<hbm>> -> memref<1x1x40x128xi32, #tpu.memory_space<hbm>>
      %dma_wait3A_233 = tpu.memref_squeeze %dma_wait3A_232 : memref<1x1x40x128xi32, #tpu.memory_space<hbm>> -> memref<40x128xi32, #tpu.memory_space<hbm>>
      tpu.wait_dma2 semaphore(%run_scoped3A_217 : memref<!tpu.dma_semaphore, #tpu.memory_space<semaphore_mem>>) src(%dma_wait3A_233 : memref<40x128xi32, #tpu.memory_space<hbm>>) dst(%arg6 : memref<40x128xi32, #tpu.memory_space<vmem>>)
      tpu.yield
    }) : () -> ()
    %run_scoped3A_69 = arith.constant 0 : i32
    "tpu.region"() ({
      %run_scoped3A_217 = tpu.sem_alloc : memref<!tpu.dma_semaphore, #tpu.memory_space<semaphore_mem>>
      %dma_start3A_218 = arith.constant 0 : i32
      %dma_start3A_219 = arith.constant 0 : i32
      %dma_start3A_220 = tpu.memref_slice %arg4[%arg1, %run_scoped3A_69, %dma_start3A_218, %dma_start3A_219] : memref<16x4x40x128xi32, #tpu.memory_space<hbm>> -> memref<1x1x40x128xi32, #tpu.memory_space<hbm>>
      %dma_start3A_221 = tpu.memref_squeeze %dma_start3A_220 : memref<1x1x40x128xi32, #tpu.memory_space<hbm>> -> memref<40x128xi32, #tpu.memory_space<hbm>>
      %dma_start3A_222 = arith.constant 0 : i32
      %dma_start3A_223 = arith.constant 0 : i32
      %dma_start3A_224 = tpu.memref_slice %arg4[%arg1, %run_scoped3A_69, %dma_start3A_222, %dma_start3A_223] : memref<16x4x40x128xi32, #tpu.memory_space<hbm>> -> memref<1x1x40x128xi32, #tpu.memory_space<hbm>>
      %dma_start3A_225 = tpu.memref_squeeze %dma_start3A_224 : memref<1x1x40x128xi32, #tpu.memory_space<hbm>> -> memref<40x128xi32, #tpu.memory_space<hbm>>
      tpu.enqueue_dma source(%dma_start3A_225 : memref<40x128xi32, #tpu.memory_space<hbm>>) target(%arg7 : memref<40x128xi32, #tpu.memory_space<vmem>>) target_semaphore(%run_scoped3A_217 : memref<!tpu.dma_semaphore, #tpu.memory_space<semaphore_mem>>)
      %dma_wait3A_226 = arith.constant 0 : i32
      %dma_wait3A_227 = arith.constant 0 : i32
      %dma_wait3A_228 = tpu.memref_slice %arg4[%arg1, %run_scoped3A_69, %dma_wait3A_226, %dma_wait3A_227] : memref<16x4x40x128xi32, #tpu.memory_space<hbm>> -> memref<1x1x40x128xi32, #tpu.memory_space<hbm>>
      %dma_wait3A_229 = tpu.memref_squeeze %dma_wait3A_228 : memref<1x1x40x128xi32, #tpu.memory_space<hbm>> -> memref<40x128xi32, #tpu.memory_space<hbm>>
      %dma_wait3A_230 = arith.constant 0 : i32
      %dma_wait3A_231 = arith.constant 0 : i32
      %dma_wait3A_232 = tpu.memref_slice %arg4[%arg1, %run_scoped3A_69, %dma_wait3A_230, %dma_wait3A_231] : memref<16x4x40x128xi32, #tpu.memory_space<hbm>> -> memref<1x1x40x128xi32, #tpu.memory_space<hbm>>
      %dma_wait3A_233 = tpu.memref_squeeze %dma_wait3A_232 : memref<1x1x40x128xi32, #tpu.memory_space<hbm>> -> memref<40x128xi32, #tpu.memory_space<hbm>>
      tpu.wait_dma2 semaphore(%run_scoped3A_217 : memref<!tpu.dma_semaphore, #tpu.memory_space<semaphore_mem>>) src(%dma_wait3A_233 : memref<40x128xi32, #tpu.memory_space<hbm>>) dst(%arg7 : memref<40x128xi32, #tpu.memory_space<vmem>>)
      tpu.yield
    }) : () -> ()
    %dma_start3A_70 = arith.constant 0 : i32
    %dma_start3A_71 = arith.constant 0 : i32
    %dma_start3A_72 = tpu.memref_slice %arg6[%dma_start3A_70, %dma_start3A_71] : memref<40x128xi32, #tpu.memory_space<vmem>> -> memref<1x128xi32, #tpu.memory_space<vmem>>
    %dma_start3A_73 = tpu.memref_squeeze %dma_start3A_72 : memref<1x128xi32, #tpu.memory_space<vmem>> -> memref<128xi32, #tpu.memory_space<vmem>>
    %dma_start3A_74 = arith.constant 0 : i32
    %dma_start3A_75 = arith.constant 0 : i32
    %dma_start3A_76 = tpu.memref_slice %arg12[%dma_start3A_74, %dma_start3A_75] : memref<10000x64xf32, #tpu.memory_space<vmem_shared>> -> memref<10000x64xf32, #tpu.memory_space<vmem_shared>>
    tpu.enqueue_indirect_dma source(%dma_start3A_76 : memref<10000x64xf32, #tpu.memory_space<vmem_shared>>) target(%arg8 : memref<128x64xf32, #tpu.memory_space<vmem>>) offsets(%dma_start3A_73 : memref<128xi32, #tpu.memory_space<vmem>>) semaphore(%arg14 : memref<!tpu.dma_semaphore, #tpu.memory_space<semaphore_mem>>)
    %dma_start3A_77 = arith.constant 1 : i32
    %dma_start3A_78 = arith.constant 0 : i32
    %dma_start3A_79 = tpu.memref_slice %arg6[%dma_start3A_77, %dma_start3A_78] : memref<40x128xi32, #tpu.memory_space<vmem>> -> memref<1x128xi32, #tpu.memory_space<vmem>>
    %dma_start3A_80 = tpu.memref_squeeze %dma_start3A_79 : memref<1x128xi32, #tpu.memory_space<vmem>> -> memref<128xi32, #tpu.memory_space<vmem>>
    %dma_start3A_81 = arith.constant 0 : i32
    %dma_start3A_82 = arith.constant 0 : i32
    %dma_start3A_83 = tpu.memref_slice %arg12[%dma_start3A_81, %dma_start3A_82] : memref<10000x64xf32, #tpu.memory_space<vmem_shared>> -> memref<10000x64xf32, #tpu.memory_space<vmem_shared>>
    tpu.enqueue_indirect_dma source(%dma_start3A_83 : memref<10000x64xf32, #tpu.memory_space<vmem_shared>>) target(%arg9 : memref<128x64xf32, #tpu.memory_space<vmem>>) offsets(%dma_start3A_80 : memref<128xi32, #tpu.memory_space<vmem>>) semaphore(%arg15 : memref<!tpu.dma_semaphore, #tpu.memory_space<semaphore_mem>>)
    %scan3A_84 = arith.constant 0 : i32
    %scan3A_85 = arith.constant 0 : i32
    %scan3A_86 = arith.constant 10 : i32
    %scan3A_87 = arith.addi %scan3A_85, %scan3A_86 : i32
    %scan3A_88 = arith.constant 1 : i32
    %scan3A_89 = scf.for %scan3A_217 = %scan3A_85 to %scan3A_87 step %scan3A_88 iter_args(%scan3A_218 = %scan3A_84) -> (i32)  : i32 {
      %mul3A_219 = arith.constant 4 : i32
      %mul3A_220 = arith.muli %mul3A_219, %scan3A_217 : i32
      %dma_wait3A_221 = arith.constant 0 : i32
      %dma_wait3A_222 = arith.constant 0 : i32
      %dma_wait3A_223 = tpu.memref_slice %arg6[%dma_wait3A_221, %dma_wait3A_222] : memref<40x128xi32, #tpu.memory_space<vmem>> -> memref<1x128xi32, #tpu.memory_space<vmem>>
      %dma_wait3A_224 = tpu.memref_squeeze %dma_wait3A_223 : memref<1x128xi32, #tpu.memory_space<vmem>> -> memref<128xi32, #tpu.memory_space<vmem>>
      %dma_wait3A_225 = arith.constant 0 : i32
      %dma_wait3A_226 = arith.constant 0 : i32
      %dma_wait3A_227 = tpu.memref_slice %arg12[%dma_wait3A_225, %dma_wait3A_226] : memref<10000x64xf32, #tpu.memory_space<vmem_shared>> -> memref<10000x64xf32, #tpu.memory_space<vmem_shared>>
      tpu.wait_indirect_dma semaphore(%arg14 : memref<!tpu.dma_semaphore, #tpu.memory_space<semaphore_mem>>) src(%dma_wait3A_227 : memref<10000x64xf32, #tpu.memory_space<vmem_shared>>) dst(%arg8 : memref<128x64xf32, #tpu.memory_space<vmem>>)
      %dma_start3A_228 = arith.constant 0 : i32
      %dma_start3A_229 = tpu.memref_slice %arg7[%mul3A_220, %dma_start3A_228] : memref<40x128xi32, #tpu.memory_space<vmem>> -> memref<1x128xi32, #tpu.memory_space<vmem>>
      %dma_start3A_230 = tpu.memref_squeeze %dma_start3A_229 : memref<1x128xi32, #tpu.memory_space<vmem>> -> memref<128xi32, #tpu.memory_space<vmem>>
      %dma_start3A_231 = arith.constant 0 : i32
      %dma_start3A_232 = arith.constant 0 : i32
      %dma_start3A_233 = tpu.memref_slice %arg13[%dma_start3A_231, %dma_start3A_232] : memref<10240x64xf32, #tpu.memory_space<vmem_shared>> -> memref<10240x64xf32, #tpu.memory_space<vmem_shared>>
      tpu.enqueue_indirect_dma source(%arg8 : memref<128x64xf32, #tpu.memory_space<vmem>>) target(%dma_start3A_233 : memref<10240x64xf32, #tpu.memory_space<vmem_shared>>) offsets(%dma_start3A_230 : memref<128xi32, #tpu.memory_space<vmem>>) semaphore(%arg18 : memref<!tpu.dma_semaphore, #tpu.memory_space<semaphore_mem>>) {add = true}
      %gt3A = arith.constant 0 : i32
      %gt3A_234 = arith.cmpi sgt, %scan3A_217, %gt3A : i32
      %convert_element_type3A = arith.extui %gt3A_234 : i1 to i32
      %cond3A = arith.constant 0 : i32
      %cond3A_235 = arith.cmpi ne, %convert_element_type3A, %cond3A : i32
      scf.if %cond3A_235 {
        %dma_wait3A_330 = arith.constant 0 : i32
        %dma_wait3A_331 = arith.constant 0 : i32
        %dma_wait3A_332 = tpu.memref_slice %arg7[%dma_wait3A_330, %dma_wait3A_331] : memref<40x128xi32, #tpu.memory_space<vmem>> -> memref<1x128xi32, #tpu.memory_space<vmem>>
        %dma_wait3A_333 = tpu.memref_squeeze %dma_wait3A_332 : memref<1x128xi32, #tpu.memory_space<vmem>> -> memref<128xi32, #tpu.memory_space<vmem>>
        %dma_wait3A_334 = arith.constant 0 : i32
        %dma_wait3A_335 = arith.constant 0 : i32
        %dma_wait3A_336 = tpu.memref_slice %arg13[%dma_wait3A_334, %dma_wait3A_335] : memref<10240x64xf32, #tpu.memory_space<vmem_shared>> -> memref<10240x64xf32, #tpu.memory_space<vmem_shared>>
        tpu.wait_indirect_dma semaphore(%arg20 : memref<!tpu.dma_semaphore, #tpu.memory_space<semaphore_mem>>) src(%arg10 : memref<128x64xf32, #tpu.memory_space<vmem>>) dst(%dma_wait3A_336 : memref<10240x64xf32, #tpu.memory_space<vmem_shared>>)
      } else {
      }
      %add3A_236 = arith.constant 2 : i32
      %add3A_237 = arith.addi %mul3A_220, %add3A_236 : i32
      %dma_start3A_238 = arith.constant 0 : i32
      %dma_start3A_239 = tpu.memref_slice %arg6[%add3A_237, %dma_start3A_238] : memref<40x128xi32, #tpu.memory_space<vmem>> -> memref<1x128xi32, #tpu.memory_space<vmem>>
      %dma_start3A_240 = tpu.memref_squeeze %dma_start3A_239 : memref<1x128xi32, #tpu.memory_space<vmem>> -> memref<128xi32, #tpu.memory_space<vmem>>
      %dma_start3A_241 = arith.constant 0 : i32
      %dma_start3A_242 = arith.constant 0 : i32
      %dma_start3A_243 = tpu.memref_slice %arg12[%dma_start3A_241, %dma_start3A_242] : memref<10000x64xf32, #tpu.memory_space<vmem_shared>> -> memref<10000x64xf32, #tpu.memory_space<vmem_shared>>
      tpu.enqueue_indirect_dma source(%dma_start3A_243 : memref<10000x64xf32, #tpu.memory_space<vmem_shared>>) target(%arg10 : memref<128x64xf32, #tpu.memory_space<vmem>>) offsets(%dma_start3A_240 : memref<128xi32, #tpu.memory_space<vmem>>) semaphore(%arg16 : memref<!tpu.dma_semaphore, #tpu.memory_space<semaphore_mem>>)
      %dma_wait3A_244 = arith.constant 0 : i32
      %dma_wait3A_245 = arith.constant 0 : i32
      %dma_wait3A_246 = tpu.memref_slice %arg6[%dma_wait3A_244, %dma_wait3A_245] : memref<40x128xi32, #tpu.memory_space<vmem>> -> memref<1x128xi32, #tpu.memory_space<vmem>>
      %dma_wait3A_247 = tpu.memref_squeeze %dma_wait3A_246 : memref<1x128xi32, #tpu.memory_space<vmem>> -> memref<128xi32, #tpu.memory_space<vmem>>
      %dma_wait3A_248 = arith.constant 0 : i32
      %dma_wait3A_249 = arith.constant 0 : i32
      %dma_wait3A_250 = tpu.memref_slice %arg12[%dma_wait3A_248, %dma_wait3A_249] : memref<10000x64xf32, #tpu.memory_space<vmem_shared>> -> memref<10000x64xf32, #tpu.memory_space<vmem_shared>>
      tpu.wait_indirect_dma semaphore(%arg15 : memref<!tpu.dma_semaphore, #tpu.memory_space<semaphore_mem>>) src(%dma_wait3A_250 : memref<10000x64xf32, #tpu.memory_space<vmem_shared>>) dst(%arg9 : memref<128x64xf32, #tpu.memory_space<vmem>>)
      %add3A_251 = arith.constant 1 : i32
      %add3A_252 = arith.addi %mul3A_220, %add3A_251 : i32
      %dma_start3A_253 = arith.constant 0 : i32
      %dma_start3A_254 = tpu.memref_slice %arg7[%add3A_252, %dma_start3A_253] : memref<40x128xi32, #tpu.memory_space<vmem>> -> memref<1x128xi32, #tpu.memory_space<vmem>>
      %dma_start3A_255 = tpu.memref_squeeze %dma_start3A_254 : memref<1x128xi32, #tpu.memory_space<vmem>> -> memref<128xi32, #tpu.memory_space<vmem>>
      %dma_start3A_256 = arith.constant 0 : i32
      %dma_start3A_257 = arith.constant 0 : i32
      %dma_start3A_258 = tpu.memref_slice %arg13[%dma_start3A_256, %dma_start3A_257] : memref<10240x64xf32, #tpu.memory_space<vmem_shared>> -> memref<10240x64xf32, #tpu.memory_space<vmem_shared>>
      tpu.enqueue_indirect_dma source(%arg9 : memref<128x64xf32, #tpu.memory_space<vmem>>) target(%dma_start3A_258 : memref<10240x64xf32, #tpu.memory_space<vmem_shared>>) offsets(%dma_start3A_255 : memref<128xi32, #tpu.memory_space<vmem>>) semaphore(%arg19 : memref<!tpu.dma_semaphore, #tpu.memory_space<semaphore_mem>>) {add = true}
      %gt3A_259 = arith.constant 0 : i32
      %gt3A_260 = arith.cmpi sgt, %scan3A_217, %gt3A_259 : i32
      %convert_element_type3A_261 = arith.extui %gt3A_260 : i1 to i32
      %cond3A_262 = arith.constant 0 : i32
      %cond3A_263 = arith.cmpi ne, %convert_element_type3A_261, %cond3A_262 : i32
      scf.if %cond3A_263 {
        %dma_wait3A_330 = arith.constant 0 : i32
        %dma_wait3A_331 = arith.constant 0 : i32
        %dma_wait3A_332 = tpu.memref_slice %arg7[%dma_wait3A_330, %dma_wait3A_331] : memref<40x128xi32, #tpu.memory_space<vmem>> -> memref<1x128xi32, #tpu.memory_space<vmem>>
        %dma_wait3A_333 = tpu.memref_squeeze %dma_wait3A_332 : memref<1x128xi32, #tpu.memory_space<vmem>> -> memref<128xi32, #tpu.memory_space<vmem>>
        %dma_wait3A_334 = arith.constant 0 : i32
        %dma_wait3A_335 = arith.constant 0 : i32
        %dma_wait3A_336 = tpu.memref_slice %arg13[%dma_wait3A_334, %dma_wait3A_335] : memref<10240x64xf32, #tpu.memory_space<vmem_shared>> -> memref<10240x64xf32, #tpu.memory_space<vmem_shared>>
        tpu.wait_indirect_dma semaphore(%arg21 : memref<!tpu.dma_semaphore, #tpu.memory_space<semaphore_mem>>) src(%arg11 : memref<128x64xf32, #tpu.memory_space<vmem>>) dst(%dma_wait3A_336 : memref<10240x64xf32, #tpu.memory_space<vmem_shared>>)
      } else {
      }
      %add3A_264 = arith.constant 3 : i32
      %add3A_265 = arith.addi %mul3A_220, %add3A_264 : i32
      %dma_start3A_266 = arith.constant 0 : i32
      %dma_start3A_267 = tpu.memref_slice %arg6[%add3A_265, %dma_start3A_266] : memref<40x128xi32, #tpu.memory_space<vmem>> -> memref<1x128xi32, #tpu.memory_space<vmem>>
      %dma_start3A_268 = tpu.memref_squeeze %dma_start3A_267 : memref<1x128xi32, #tpu.memory_space<vmem>> -> memref<128xi32, #tpu.memory_space<vmem>>
      %dma_start3A_269 = arith.constant 0 : i32
      %dma_start3A_270 = arith.constant 0 : i32
      %dma_start3A_271 = tpu.memref_slice %arg12[%dma_start3A_269, %dma_start3A_270] : memref<10000x64xf32, #tpu.memory_space<vmem_shared>> -> memref<10000x64xf32, #tpu.memory_space<vmem_shared>>
      tpu.enqueue_indirect_dma source(%dma_start3A_271 : memref<10000x64xf32, #tpu.memory_space<vmem_shared>>) target(%arg11 : memref<128x64xf32, #tpu.memory_space<vmem>>) offsets(%dma_start3A_268 : memref<128xi32, #tpu.memory_space<vmem>>) semaphore(%arg17 : memref<!tpu.dma_semaphore, #tpu.memory_space<semaphore_mem>>)
      %dma_wait3A_272 = arith.constant 0 : i32
      %dma_wait3A_273 = arith.constant 0 : i32
      %dma_wait3A_274 = tpu.memref_slice %arg6[%dma_wait3A_272, %dma_wait3A_273] : memref<40x128xi32, #tpu.memory_space<vmem>> -> memref<1x128xi32, #tpu.memory_space<vmem>>
      %dma_wait3A_275 = tpu.memref_squeeze %dma_wait3A_274 : memref<1x128xi32, #tpu.memory_space<vmem>> -> memref<128xi32, #tpu.memory_space<vmem>>
      %dma_wait3A_276 = arith.constant 0 : i32
      %dma_wait3A_277 = arith.constant 0 : i32
      %dma_wait3A_278 = tpu.memref_slice %arg12[%dma_wait3A_276, %dma_wait3A_277] : memref<10000x64xf32, #tpu.memory_space<vmem_shared>> -> memref<10000x64xf32, #tpu.memory_space<vmem_shared>>
      tpu.wait_indirect_dma semaphore(%arg16 : memref<!tpu.dma_semaphore, #tpu.memory_space<semaphore_mem>>) src(%dma_wait3A_278 : memref<10000x64xf32, #tpu.memory_space<vmem_shared>>) dst(%arg10 : memref<128x64xf32, #tpu.memory_space<vmem>>)
      %add3A_279 = arith.constant 2 : i32
      %add3A_280 = arith.addi %mul3A_220, %add3A_279 : i32
      %dma_start3A_281 = arith.constant 0 : i32
      %dma_start3A_282 = tpu.memref_slice %arg7[%add3A_280, %dma_start3A_281] : memref<40x128xi32, #tpu.memory_space<vmem>> -> memref<1x128xi32, #tpu.memory_space<vmem>>
      %dma_start3A_283 = tpu.memref_squeeze %dma_start3A_282 : memref<1x128xi32, #tpu.memory_space<vmem>> -> memref<128xi32, #tpu.memory_space<vmem>>
      %dma_start3A_284 = arith.constant 0 : i32
      %dma_start3A_285 = arith.constant 0 : i32
      %dma_start3A_286 = tpu.memref_slice %arg13[%dma_start3A_284, %dma_start3A_285] : memref<10240x64xf32, #tpu.memory_space<vmem_shared>> -> memref<10240x64xf32, #tpu.memory_space<vmem_shared>>
      tpu.enqueue_indirect_dma source(%arg10 : memref<128x64xf32, #tpu.memory_space<vmem>>) target(%dma_start3A_286 : memref<10240x64xf32, #tpu.memory_space<vmem_shared>>) offsets(%dma_start3A_283 : memref<128xi32, #tpu.memory_space<vmem>>) semaphore(%arg20 : memref<!tpu.dma_semaphore, #tpu.memory_space<semaphore_mem>>) {add = true}
      %dma_wait3A_287 = arith.constant 0 : i32
      %dma_wait3A_288 = arith.constant 0 : i32
      %dma_wait3A_289 = tpu.memref_slice %arg7[%dma_wait3A_287, %dma_wait3A_288] : memref<40x128xi32, #tpu.memory_space<vmem>> -> memref<1x128xi32, #tpu.memory_space<vmem>>
      %dma_wait3A_290 = tpu.memref_squeeze %dma_wait3A_289 : memref<1x128xi32, #tpu.memory_space<vmem>> -> memref<128xi32, #tpu.memory_space<vmem>>
      %dma_wait3A_291 = arith.constant 0 : i32
      %dma_wait3A_292 = arith.constant 0 : i32
      %dma_wait3A_293 = tpu.memref_slice %arg13[%dma_wait3A_291, %dma_wait3A_292] : memref<10240x64xf32, #tpu.memory_space<vmem_shared>> -> memref<10240x64xf32, #tpu.memory_space<vmem_shared>>
      tpu.wait_indirect_dma semaphore(%arg18 : memref<!tpu.dma_semaphore, #tpu.memory_space<semaphore_mem>>) src(%arg8 : memref<128x64xf32, #tpu.memory_space<vmem>>) dst(%dma_wait3A_293 : memref<10240x64xf32, #tpu.memory_space<vmem_shared>>)
      %add3A_294 = arith.constant 1 : i32
      %add3A_295 = arith.addi %scan3A_217, %add3A_294 : i32
      %lt3A = arith.constant 10 : i32
      %lt3A_296 = arith.cmpi slt, %add3A_295, %lt3A : i32
      %convert_element_type3A_297 = arith.extui %lt3A_296 : i1 to i32
      %cond3A_298 = arith.constant 0 : i32
      %cond3A_299 = arith.cmpi ne, %convert_element_type3A_297, %cond3A_298 : i32
      scf.if %cond3A_299 {
        %add3A_330 = arith.constant 4 : i32
        %add3A_331 = arith.addi %mul3A_220, %add3A_330 : i32
        %dma_start3A_332 = arith.constant 0 : i32
        %dma_start3A_333 = tpu.memref_slice %arg6[%add3A_331, %dma_start3A_332] : memref<40x128xi32, #tpu.memory_space<vmem>> -> memref<1x128xi32, #tpu.memory_space<vmem>>
        %dma_start3A_334 = tpu.memref_squeeze %dma_start3A_333 : memref<1x128xi32, #tpu.memory_space<vmem>> -> memref<128xi32, #tpu.memory_space<vmem>>
        %dma_start3A_335 = arith.constant 0 : i32
        %dma_start3A_336 = arith.constant 0 : i32
        %dma_start3A_337 = tpu.memref_slice %arg12[%dma_start3A_335, %dma_start3A_336] : memref<10000x64xf32, #tpu.memory_space<vmem_shared>> -> memref<10000x64xf32, #tpu.memory_space<vmem_shared>>
        tpu.enqueue_indirect_dma source(%dma_start3A_337 : memref<10000x64xf32, #tpu.memory_space<vmem_shared>>) target(%arg8 : memref<128x64xf32, #tpu.memory_space<vmem>>) offsets(%dma_start3A_334 : memref<128xi32, #tpu.memory_space<vmem>>) semaphore(%arg14 : memref<!tpu.dma_semaphore, #tpu.memory_space<semaphore_mem>>)
      } else {
      }
      %dma_wait3A_300 = arith.constant 0 : i32
      %dma_wait3A_301 = arith.constant 0 : i32
      %dma_wait3A_302 = tpu.memref_slice %arg6[%dma_wait3A_300, %dma_wait3A_301] : memref<40x128xi32, #tpu.memory_space<vmem>> -> memref<1x128xi32, #tpu.memory_space<vmem>>
      %dma_wait3A_303 = tpu.memref_squeeze %dma_wait3A_302 : memref<1x128xi32, #tpu.memory_space<vmem>> -> memref<128xi32, #tpu.memory_space<vmem>>
      %dma_wait3A_304 = arith.constant 0 : i32
      %dma_wait3A_305 = arith.constant 0 : i32
      %dma_wait3A_306 = tpu.memref_slice %arg12[%dma_wait3A_304, %dma_wait3A_305] : memref<10000x64xf32, #tpu.memory_space<vmem_shared>> -> memref<10000x64xf32, #tpu.memory_space<vmem_shared>>
      tpu.wait_indirect_dma semaphore(%arg17 : memref<!tpu.dma_semaphore, #tpu.memory_space<semaphore_mem>>) src(%dma_wait3A_306 : memref<10000x64xf32, #tpu.memory_space<vmem_shared>>) dst(%arg11 : memref<128x64xf32, #tpu.memory_space<vmem>>)
      %add3A_307 = arith.constant 3 : i32
      %add3A_308 = arith.addi %mul3A_220, %add3A_307 : i32
      %dma_start3A_309 = arith.constant 0 : i32
      %dma_start3A_310 = tpu.memref_slice %arg7[%add3A_308, %dma_start3A_309] : memref<40x128xi32, #tpu.memory_space<vmem>> -> memref<1x128xi32, #tpu.memory_space<vmem>>
      %dma_start3A_311 = tpu.memref_squeeze %dma_start3A_310 : memref<1x128xi32, #tpu.memory_space<vmem>> -> memref<128xi32, #tpu.memory_space<vmem>>
      %dma_start3A_312 = arith.constant 0 : i32
      %dma_start3A_313 = arith.constant 0 : i32
      %dma_start3A_314 = tpu.memref_slice %arg13[%dma_start3A_312, %dma_start3A_313] : memref<10240x64xf32, #tpu.memory_space<vmem_shared>> -> memref<10240x64xf32, #tpu.memory_space<vmem_shared>>
      tpu.enqueue_indirect_dma source(%arg11 : memref<128x64xf32, #tpu.memory_space<vmem>>) target(%dma_start3A_314 : memref<10240x64xf32, #tpu.memory_space<vmem_shared>>) offsets(%dma_start3A_311 : memref<128xi32, #tpu.memory_space<vmem>>) semaphore(%arg21 : memref<!tpu.dma_semaphore, #tpu.memory_space<semaphore_mem>>) {add = true}
      %dma_wait3A_315 = arith.constant 0 : i32
      %dma_wait3A_316 = arith.constant 0 : i32
      %dma_wait3A_317 = tpu.memref_slice %arg7[%dma_wait3A_315, %dma_wait3A_316] : memref<40x128xi32, #tpu.memory_space<vmem>> -> memref<1x128xi32, #tpu.memory_space<vmem>>
      %dma_wait3A_318 = tpu.memref_squeeze %dma_wait3A_317 : memref<1x128xi32, #tpu.memory_space<vmem>> -> memref<128xi32, #tpu.memory_space<vmem>>
      %dma_wait3A_319 = arith.constant 0 : i32
      %dma_wait3A_320 = arith.constant 0 : i32
      %dma_wait3A_321 = tpu.memref_slice %arg13[%dma_wait3A_319, %dma_wait3A_320] : memref<10240x64xf32, #tpu.memory_space<vmem_shared>> -> memref<10240x64xf32, #tpu.memory_space<vmem_shared>>
      tpu.wait_indirect_dma semaphore(%arg19 : memref<!tpu.dma_semaphore, #tpu.memory_space<semaphore_mem>>) src(%arg9 : memref<128x64xf32, #tpu.memory_space<vmem>>) dst(%dma_wait3A_321 : memref<10240x64xf32, #tpu.memory_space<vmem_shared>>)
      %add3A_322 = arith.constant 1 : i32
      %add3A_323 = arith.addi %scan3A_217, %add3A_322 : i32
      %lt3A_324 = arith.constant 10 : i32
      %lt3A_325 = arith.cmpi slt, %add3A_323, %lt3A_324 : i32
      %convert_element_type3A_326 = arith.extui %lt3A_325 : i1 to i32
      %cond3A_327 = arith.constant 0 : i32
      %cond3A_328 = arith.cmpi ne, %convert_element_type3A_326, %cond3A_327 : i32
      scf.if %cond3A_328 {
        %add3A_330 = arith.constant 5 : i32
        %add3A_331 = arith.addi %mul3A_220, %add3A_330 : i32
        %dma_start3A_332 = arith.constant 0 : i32
        %dma_start3A_333 = tpu.memref_slice %arg6[%add3A_331, %dma_start3A_332] : memref<40x128xi32, #tpu.memory_space<vmem>> -> memref<1x128xi32, #tpu.memory_space<vmem>>
        %dma_start3A_334 = tpu.memref_squeeze %dma_start3A_333 : memref<1x128xi32, #tpu.memory_space<vmem>> -> memref<128xi32, #tpu.memory_space<vmem>>
        %dma_start3A_335 = arith.constant 0 : i32
        %dma_start3A_336 = arith.constant 0 : i32
        %dma_start3A_337 = tpu.memref_slice %arg12[%dma_start3A_335, %dma_start3A_336] : memref<10000x64xf32, #tpu.memory_space<vmem_shared>> -> memref<10000x64xf32, #tpu.memory_space<vmem_shared>>
        tpu.enqueue_indirect_dma source(%dma_start3A_337 : memref<10000x64xf32, #tpu.memory_space<vmem_shared>>) target(%arg9 : memref<128x64xf32, #tpu.memory_space<vmem>>) offsets(%dma_start3A_334 : memref<128xi32, #tpu.memory_space<vmem>>) semaphore(%arg15 : memref<!tpu.dma_semaphore, #tpu.memory_space<semaphore_mem>>)
      } else {
      }
      %scan3A_329 = arith.constant 0 : i32
      scf.yield %scan3A_329 : i32
    }
    %scan3A_90 = arith.constant 10 : i32
    %dma_wait3A_91 = arith.constant 0 : i32
    %dma_wait3A_92 = arith.constant 0 : i32
    %dma_wait3A_93 = tpu.memref_slice %arg7[%dma_wait3A_91, %dma_wait3A_92] : memref<40x128xi32, #tpu.memory_space<vmem>> -> memref<1x128xi32, #tpu.memory_space<vmem>>
    %dma_wait3A_94 = tpu.memref_squeeze %dma_wait3A_93 : memref<1x128xi32, #tpu.memory_space<vmem>> -> memref<128xi32, #tpu.memory_space<vmem>>
    %dma_wait3A_95 = arith.constant 0 : i32
    %dma_wait3A_96 = arith.constant 0 : i32
    %dma_wait3A_97 = tpu.memref_slice %arg13[%dma_wait3A_95, %dma_wait3A_96] : memref<10240x64xf32, #tpu.memory_space<vmem_shared>> -> memref<10240x64xf32, #tpu.memory_space<vmem_shared>>
    tpu.wait_indirect_dma semaphore(%arg20 : memref<!tpu.dma_semaphore, #tpu.memory_space<semaphore_mem>>) src(%arg10 : memref<128x64xf32, #tpu.memory_space<vmem>>) dst(%dma_wait3A_97 : memref<10240x64xf32, #tpu.memory_space<vmem_shared>>)
    %dma_wait3A_98 = arith.constant 0 : i32
    %dma_wait3A_99 = arith.constant 0 : i32
    %dma_wait3A_100 = tpu.memref_slice %arg7[%dma_wait3A_98, %dma_wait3A_99] : memref<40x128xi32, #tpu.memory_space<vmem>> -> memref<1x128xi32, #tpu.memory_space<vmem>>
    %dma_wait3A_101 = tpu.memref_squeeze %dma_wait3A_100 : memref<1x128xi32, #tpu.memory_space<vmem>> -> memref<128xi32, #tpu.memory_space<vmem>>
    %dma_wait3A_102 = arith.constant 0 : i32
    %dma_wait3A_103 = arith.constant 0 : i32
    %dma_wait3A_104 = tpu.memref_slice %arg13[%dma_wait3A_102, %dma_wait3A_103] : memref<10240x64xf32, #tpu.memory_space<vmem_shared>> -> memref<10240x64xf32, #tpu.memory_space<vmem_shared>>
    tpu.wait_indirect_dma semaphore(%arg21 : memref<!tpu.dma_semaphore, #tpu.memory_space<semaphore_mem>>) src(%arg11 : memref<128x64xf32, #tpu.memory_space<vmem>>) dst(%dma_wait3A_104 : memref<10240x64xf32, #tpu.memory_space<vmem_shared>>)
    %run_scoped3A_105 = arith.constant 1 : i32
    "tpu.region"() ({
      %run_scoped3A_217 = tpu.sem_alloc : memref<!tpu.dma_semaphore, #tpu.memory_space<semaphore_mem>>
      %dma_start3A_218 = arith.constant 0 : i32
      %dma_start3A_219 = arith.constant 0 : i32
      %dma_start3A_220 = tpu.memref_slice %arg3[%arg1, %run_scoped3A_105, %dma_start3A_218, %dma_start3A_219] : memref<16x4x40x128xi32, #tpu.memory_space<hbm>> -> memref<1x1x40x128xi32, #tpu.memory_space<hbm>>
      %dma_start3A_221 = tpu.memref_squeeze %dma_start3A_220 : memref<1x1x40x128xi32, #tpu.memory_space<hbm>> -> memref<40x128xi32, #tpu.memory_space<hbm>>
      %dma_start3A_222 = arith.constant 0 : i32
      %dma_start3A_223 = arith.constant 0 : i32
      %dma_start3A_224 = tpu.memref_slice %arg3[%arg1, %run_scoped3A_105, %dma_start3A_222, %dma_start3A_223] : memref<16x4x40x128xi32, #tpu.memory_space<hbm>> -> memref<1x1x40x128xi32, #tpu.memory_space<hbm>>
      %dma_start3A_225 = tpu.memref_squeeze %dma_start3A_224 : memref<1x1x40x128xi32, #tpu.memory_space<hbm>> -> memref<40x128xi32, #tpu.memory_space<hbm>>
      tpu.enqueue_dma source(%dma_start3A_225 : memref<40x128xi32, #tpu.memory_space<hbm>>) target(%arg6 : memref<40x128xi32, #tpu.memory_space<vmem>>) target_semaphore(%run_scoped3A_217 : memref<!tpu.dma_semaphore, #tpu.memory_space<semaphore_mem>>)
      %dma_wait3A_226 = arith.constant 0 : i32
      %dma_wait3A_227 = arith.constant 0 : i32
      %dma_wait3A_228 = tpu.memref_slice %arg3[%arg1, %run_scoped3A_105, %dma_wait3A_226, %dma_wait3A_227] : memref<16x4x40x128xi32, #tpu.memory_space<hbm>> -> memref<1x1x40x128xi32, #tpu.memory_space<hbm>>
      %dma_wait3A_229 = tpu.memref_squeeze %dma_wait3A_228 : memref<1x1x40x128xi32, #tpu.memory_space<hbm>> -> memref<40x128xi32, #tpu.memory_space<hbm>>
      %dma_wait3A_230 = arith.constant 0 : i32
      %dma_wait3A_231 = arith.constant 0 : i32
      %dma_wait3A_232 = tpu.memref_slice %arg3[%arg1, %run_scoped3A_105, %dma_wait3A_230, %dma_wait3A_231] : memref<16x4x40x128xi32, #tpu.memory_space<hbm>> -> memref<1x1x40x128xi32, #tpu.memory_space<hbm>>
      %dma_wait3A_233 = tpu.memref_squeeze %dma_wait3A_232 : memref<1x1x40x128xi32, #tpu.memory_space<hbm>> -> memref<40x128xi32, #tpu.memory_space<hbm>>
      tpu.wait_dma2 semaphore(%run_scoped3A_217 : memref<!tpu.dma_semaphore, #tpu.memory_space<semaphore_mem>>) src(%dma_wait3A_233 : memref<40x128xi32, #tpu.memory_space<hbm>>) dst(%arg6 : memref<40x128xi32, #tpu.memory_space<vmem>>)
      tpu.yield
    }) : () -> ()
    %run_scoped3A_106 = arith.constant 1 : i32
    "tpu.region"() ({
      %run_scoped3A_217 = tpu.sem_alloc : memref<!tpu.dma_semaphore, #tpu.memory_space<semaphore_mem>>
      %dma_start3A_218 = arith.constant 0 : i32
      %dma_start3A_219 = arith.constant 0 : i32
      %dma_start3A_220 = tpu.memref_slice %arg4[%arg1, %run_scoped3A_106, %dma_start3A_218, %dma_start3A_219] : memref<16x4x40x128xi32, #tpu.memory_space<hbm>> -> memref<1x1x40x128xi32, #tpu.memory_space<hbm>>
      %dma_start3A_221 = tpu.memref_squeeze %dma_start3A_220 : memref<1x1x40x128xi32, #tpu.memory_space<hbm>> -> memref<40x128xi32, #tpu.memory_space<hbm>>
      %dma_start3A_222 = arith.constant 0 : i32
      %dma_start3A_223 = arith.constant 0 : i32
      %dma_start3A_224 = tpu.memref_slice %arg4[%arg1, %run_scoped3A_106, %dma_start3A_222, %dma_start3A_223] : memref<16x4x40x128xi32, #tpu.memory_space<hbm>> -> memref<1x1x40x128xi32, #tpu.memory_space<hbm>>
      %dma_start3A_225 = tpu.memref_squeeze %dma_start3A_224 : memref<1x1x40x128xi32, #tpu.memory_space<hbm>> -> memref<40x128xi32, #tpu.memory_space<hbm>>
      tpu.enqueue_dma source(%dma_start3A_225 : memref<40x128xi32, #tpu.memory_space<hbm>>) target(%arg7 : memref<40x128xi32, #tpu.memory_space<vmem>>) target_semaphore(%run_scoped3A_217 : memref<!tpu.dma_semaphore, #tpu.memory_space<semaphore_mem>>)
      %dma_wait3A_226 = arith.constant 0 : i32
      %dma_wait3A_227 = arith.constant 0 : i32
      %dma_wait3A_228 = tpu.memref_slice %arg4[%arg1, %run_scoped3A_106, %dma_wait3A_226, %dma_wait3A_227] : memref<16x4x40x128xi32, #tpu.memory_space<hbm>> -> memref<1x1x40x128xi32, #tpu.memory_space<hbm>>
      %dma_wait3A_229 = tpu.memref_squeeze %dma_wait3A_228 : memref<1x1x40x128xi32, #tpu.memory_space<hbm>> -> memref<40x128xi32, #tpu.memory_space<hbm>>
      %dma_wait3A_230 = arith.constant 0 : i32
      %dma_wait3A_231 = arith.constant 0 : i32
      %dma_wait3A_232 = tpu.memref_slice %arg4[%arg1, %run_scoped3A_106, %dma_wait3A_230, %dma_wait3A_231] : memref<16x4x40x128xi32, #tpu.memory_space<hbm>> -> memref<1x1x40x128xi32, #tpu.memory_space<hbm>>
      %dma_wait3A_233 = tpu.memref_squeeze %dma_wait3A_232 : memref<1x1x40x128xi32, #tpu.memory_space<hbm>> -> memref<40x128xi32, #tpu.memory_space<hbm>>
      tpu.wait_dma2 semaphore(%run_scoped3A_217 : memref<!tpu.dma_semaphore, #tpu.memory_space<semaphore_mem>>) src(%dma_wait3A_233 : memref<40x128xi32, #tpu.memory_space<hbm>>) dst(%arg7 : memref<40x128xi32, #tpu.memory_space<vmem>>)
      tpu.yield
    }) : () -> ()
    %dma_start3A_107 = arith.constant 0 : i32
    %dma_start3A_108 = arith.constant 0 : i32
    %dma_start3A_109 = tpu.memref_slice %arg6[%dma_start3A_107, %dma_start3A_108] : memref<40x128xi32, #tpu.memory_space<vmem>> -> memref<1x128xi32, #tpu.memory_space<vmem>>
    %dma_start3A_110 = tpu.memref_squeeze %dma_start3A_109 : memref<1x128xi32, #tpu.memory_space<vmem>> -> memref<128xi32, #tpu.memory_space<vmem>>
    %dma_start3A_111 = arith.constant 0 : i32
    %dma_start3A_112 = arith.constant 0 : i32
    %dma_start3A_113 = tpu.memref_slice %arg12[%dma_start3A_111, %dma_start3A_112] : memref<10000x64xf32, #tpu.memory_space<vmem_shared>> -> memref<10000x64xf32, #tpu.memory_space<vmem_shared>>
    tpu.enqueue_indirect_dma source(%dma_start3A_113 : memref<10000x64xf32, #tpu.memory_space<vmem_shared>>) target(%arg8 : memref<128x64xf32, #tpu.memory_space<vmem>>) offsets(%dma_start3A_110 : memref<128xi32, #tpu.memory_space<vmem>>) semaphore(%arg14 : memref<!tpu.dma_semaphore, #tpu.memory_space<semaphore_mem>>)
    %dma_start3A_114 = arith.constant 1 : i32
    %dma_start3A_115 = arith.constant 0 : i32
    %dma_start3A_116 = tpu.memref_slice %arg6[%dma_start3A_114, %dma_start3A_115] : memref<40x128xi32, #tpu.memory_space<vmem>> -> memref<1x128xi32, #tpu.memory_space<vmem>>
    %dma_start3A_117 = tpu.memref_squeeze %dma_start3A_116 : memref<1x128xi32, #tpu.memory_space<vmem>> -> memref<128xi32, #tpu.memory_space<vmem>>
    %dma_start3A_118 = arith.constant 0 : i32
    %dma_start3A_119 = arith.constant 0 : i32
    %dma_start3A_120 = tpu.memref_slice %arg12[%dma_start3A_118, %dma_start3A_119] : memref<10000x64xf32, #tpu.memory_space<vmem_shared>> -> memref<10000x64xf32, #tpu.memory_space<vmem_shared>>
    tpu.enqueue_indirect_dma source(%dma_start3A_120 : memref<10000x64xf32, #tpu.memory_space<vmem_shared>>) target(%arg9 : memref<128x64xf32, #tpu.memory_space<vmem>>) offsets(%dma_start3A_117 : memref<128xi32, #tpu.memory_space<vmem>>) semaphore(%arg15 : memref<!tpu.dma_semaphore, #tpu.memory_space<semaphore_mem>>)
    %scan3A_121 = arith.constant 0 : i32
    %scan3A_122 = arith.constant 0 : i32
    %scan3A_123 = arith.constant 10 : i32
    %scan3A_124 = arith.addi %scan3A_122, %scan3A_123 : i32
    %scan3A_125 = arith.constant 1 : i32
    %scan3A_126 = scf.for %scan3A_217 = %scan3A_122 to %scan3A_124 step %scan3A_125 iter_args(%scan3A_218 = %scan3A_121) -> (i32)  : i32 {
      %mul3A_219 = arith.constant 4 : i32
      %mul3A_220 = arith.muli %mul3A_219, %scan3A_217 : i32
      %dma_wait3A_221 = arith.constant 0 : i32
      %dma_wait3A_222 = arith.constant 0 : i32
      %dma_wait3A_223 = tpu.memref_slice %arg6[%dma_wait3A_221, %dma_wait3A_222] : memref<40x128xi32, #tpu.memory_space<vmem>> -> memref<1x128xi32, #tpu.memory_space<vmem>>
      %dma_wait3A_224 = tpu.memref_squeeze %dma_wait3A_223 : memref<1x128xi32, #tpu.memory_space<vmem>> -> memref<128xi32, #tpu.memory_space<vmem>>
      %dma_wait3A_225 = arith.constant 0 : i32
      %dma_wait3A_226 = arith.constant 0 : i32
      %dma_wait3A_227 = tpu.memref_slice %arg12[%dma_wait3A_225, %dma_wait3A_226] : memref<10000x64xf32, #tpu.memory_space<vmem_shared>> -> memref<10000x64xf32, #tpu.memory_space<vmem_shared>>
      tpu.wait_indirect_dma semaphore(%arg14 : memref<!tpu.dma_semaphore, #tpu.memory_space<semaphore_mem>>) src(%dma_wait3A_227 : memref<10000x64xf32, #tpu.memory_space<vmem_shared>>) dst(%arg8 : memref<128x64xf32, #tpu.memory_space<vmem>>)
      %dma_start3A_228 = arith.constant 0 : i32
      %dma_start3A_229 = tpu.memref_slice %arg7[%mul3A_220, %dma_start3A_228] : memref<40x128xi32, #tpu.memory_space<vmem>> -> memref<1x128xi32, #tpu.memory_space<vmem>>
      %dma_start3A_230 = tpu.memref_squeeze %dma_start3A_229 : memref<1x128xi32, #tpu.memory_space<vmem>> -> memref<128xi32, #tpu.memory_space<vmem>>
      %dma_start3A_231 = arith.constant 0 : i32
      %dma_start3A_232 = arith.constant 0 : i32
      %dma_start3A_233 = tpu.memref_slice %arg13[%dma_start3A_231, %dma_start3A_232] : memref<10240x64xf32, #tpu.memory_space<vmem_shared>> -> memref<10240x64xf32, #tpu.memory_space<vmem_shared>>
      tpu.enqueue_indirect_dma source(%arg8 : memref<128x64xf32, #tpu.memory_space<vmem>>) target(%dma_start3A_233 : memref<10240x64xf32, #tpu.memory_space<vmem_shared>>) offsets(%dma_start3A_230 : memref<128xi32, #tpu.memory_space<vmem>>) semaphore(%arg18 : memref<!tpu.dma_semaphore, #tpu.memory_space<semaphore_mem>>) {add = true}
      %gt3A = arith.constant 0 : i32
      %gt3A_234 = arith.cmpi sgt, %scan3A_217, %gt3A : i32
      %convert_element_type3A = arith.extui %gt3A_234 : i1 to i32
      %cond3A = arith.constant 0 : i32
      %cond3A_235 = arith.cmpi ne, %convert_element_type3A, %cond3A : i32
      scf.if %cond3A_235 {
        %dma_wait3A_330 = arith.constant 0 : i32
        %dma_wait3A_331 = arith.constant 0 : i32
        %dma_wait3A_332 = tpu.memref_slice %arg7[%dma_wait3A_330, %dma_wait3A_331] : memref<40x128xi32, #tpu.memory_space<vmem>> -> memref<1x128xi32, #tpu.memory_space<vmem>>
        %dma_wait3A_333 = tpu.memref_squeeze %dma_wait3A_332 : memref<1x128xi32, #tpu.memory_space<vmem>> -> memref<128xi32, #tpu.memory_space<vmem>>
        %dma_wait3A_334 = arith.constant 0 : i32
        %dma_wait3A_335 = arith.constant 0 : i32
        %dma_wait3A_336 = tpu.memref_slice %arg13[%dma_wait3A_334, %dma_wait3A_335] : memref<10240x64xf32, #tpu.memory_space<vmem_shared>> -> memref<10240x64xf32, #tpu.memory_space<vmem_shared>>
        tpu.wait_indirect_dma semaphore(%arg20 : memref<!tpu.dma_semaphore, #tpu.memory_space<semaphore_mem>>) src(%arg10 : memref<128x64xf32, #tpu.memory_space<vmem>>) dst(%dma_wait3A_336 : memref<10240x64xf32, #tpu.memory_space<vmem_shared>>)
      } else {
      }
      %add3A_236 = arith.constant 2 : i32
      %add3A_237 = arith.addi %mul3A_220, %add3A_236 : i32
      %dma_start3A_238 = arith.constant 0 : i32
      %dma_start3A_239 = tpu.memref_slice %arg6[%add3A_237, %dma_start3A_238] : memref<40x128xi32, #tpu.memory_space<vmem>> -> memref<1x128xi32, #tpu.memory_space<vmem>>
      %dma_start3A_240 = tpu.memref_squeeze %dma_start3A_239 : memref<1x128xi32, #tpu.memory_space<vmem>> -> memref<128xi32, #tpu.memory_space<vmem>>
      %dma_start3A_241 = arith.constant 0 : i32
      %dma_start3A_242 = arith.constant 0 : i32
      %dma_start3A_243 = tpu.memref_slice %arg12[%dma_start3A_241, %dma_start3A_242] : memref<10000x64xf32, #tpu.memory_space<vmem_shared>> -> memref<10000x64xf32, #tpu.memory_space<vmem_shared>>
      tpu.enqueue_indirect_dma source(%dma_start3A_243 : memref<10000x64xf32, #tpu.memory_space<vmem_shared>>) target(%arg10 : memref<128x64xf32, #tpu.memory_space<vmem>>) offsets(%dma_start3A_240 : memref<128xi32, #tpu.memory_space<vmem>>) semaphore(%arg16 : memref<!tpu.dma_semaphore, #tpu.memory_space<semaphore_mem>>)
      %dma_wait3A_244 = arith.constant 0 : i32
      %dma_wait3A_245 = arith.constant 0 : i32
      %dma_wait3A_246 = tpu.memref_slice %arg6[%dma_wait3A_244, %dma_wait3A_245] : memref<40x128xi32, #tpu.memory_space<vmem>> -> memref<1x128xi32, #tpu.memory_space<vmem>>
      %dma_wait3A_247 = tpu.memref_squeeze %dma_wait3A_246 : memref<1x128xi32, #tpu.memory_space<vmem>> -> memref<128xi32, #tpu.memory_space<vmem>>
      %dma_wait3A_248 = arith.constant 0 : i32
      %dma_wait3A_249 = arith.constant 0 : i32
      %dma_wait3A_250 = tpu.memref_slice %arg12[%dma_wait3A_248, %dma_wait3A_249] : memref<10000x64xf32, #tpu.memory_space<vmem_shared>> -> memref<10000x64xf32, #tpu.memory_space<vmem_shared>>
      tpu.wait_indirect_dma semaphore(%arg15 : memref<!tpu.dma_semaphore, #tpu.memory_space<semaphore_mem>>) src(%dma_wait3A_250 : memref<10000x64xf32, #tpu.memory_space<vmem_shared>>) dst(%arg9 : memref<128x64xf32, #tpu.memory_space<vmem>>)
      %add3A_251 = arith.constant 1 : i32
      %add3A_252 = arith.addi %mul3A_220, %add3A_251 : i32
      %dma_start3A_253 = arith.constant 0 : i32
      %dma_start3A_254 = tpu.memref_slice %arg7[%add3A_252, %dma_start3A_253] : memref<40x128xi32, #tpu.memory_space<vmem>> -> memref<1x128xi32, #tpu.memory_space<vmem>>
      %dma_start3A_255 = tpu.memref_squeeze %dma_start3A_254 : memref<1x128xi32, #tpu.memory_space<vmem>> -> memref<128xi32, #tpu.memory_space<vmem>>
      %dma_start3A_256 = arith.constant 0 : i32
      %dma_start3A_257 = arith.constant 0 : i32
      %dma_start3A_258 = tpu.memref_slice %arg13[%dma_start3A_256, %dma_start3A_257] : memref<10240x64xf32, #tpu.memory_space<vmem_shared>> -> memref<10240x64xf32, #tpu.memory_space<vmem_shared>>
      tpu.enqueue_indirect_dma source(%arg9 : memref<128x64xf32, #tpu.memory_space<vmem>>) target(%dma_start3A_258 : memref<10240x64xf32, #tpu.memory_space<vmem_shared>>) offsets(%dma_start3A_255 : memref<128xi32, #tpu.memory_space<vmem>>) semaphore(%arg19 : memref<!tpu.dma_semaphore, #tpu.memory_space<semaphore_mem>>) {add = true}
      %gt3A_259 = arith.constant 0 : i32
      %gt3A_260 = arith.cmpi sgt, %scan3A_217, %gt3A_259 : i32
      %convert_element_type3A_261 = arith.extui %gt3A_260 : i1 to i32
      %cond3A_262 = arith.constant 0 : i32
      %cond3A_263 = arith.cmpi ne, %convert_element_type3A_261, %cond3A_262 : i32
      scf.if %cond3A_263 {
        %dma_wait3A_330 = arith.constant 0 : i32
        %dma_wait3A_331 = arith.constant 0 : i32
        %dma_wait3A_332 = tpu.memref_slice %arg7[%dma_wait3A_330, %dma_wait3A_331] : memref<40x128xi32, #tpu.memory_space<vmem>> -> memref<1x128xi32, #tpu.memory_space<vmem>>
        %dma_wait3A_333 = tpu.memref_squeeze %dma_wait3A_332 : memref<1x128xi32, #tpu.memory_space<vmem>> -> memref<128xi32, #tpu.memory_space<vmem>>
        %dma_wait3A_334 = arith.constant 0 : i32
        %dma_wait3A_335 = arith.constant 0 : i32
        %dma_wait3A_336 = tpu.memref_slice %arg13[%dma_wait3A_334, %dma_wait3A_335] : memref<10240x64xf32, #tpu.memory_space<vmem_shared>> -> memref<10240x64xf32, #tpu.memory_space<vmem_shared>>
        tpu.wait_indirect_dma semaphore(%arg21 : memref<!tpu.dma_semaphore, #tpu.memory_space<semaphore_mem>>) src(%arg11 : memref<128x64xf32, #tpu.memory_space<vmem>>) dst(%dma_wait3A_336 : memref<10240x64xf32, #tpu.memory_space<vmem_shared>>)
      } else {
      }
      %add3A_264 = arith.constant 3 : i32
      %add3A_265 = arith.addi %mul3A_220, %add3A_264 : i32
      %dma_start3A_266 = arith.constant 0 : i32
      %dma_start3A_267 = tpu.memref_slice %arg6[%add3A_265, %dma_start3A_266] : memref<40x128xi32, #tpu.memory_space<vmem>> -> memref<1x128xi32, #tpu.memory_space<vmem>>
      %dma_start3A_268 = tpu.memref_squeeze %dma_start3A_267 : memref<1x128xi32, #tpu.memory_space<vmem>> -> memref<128xi32, #tpu.memory_space<vmem>>
      %dma_start3A_269 = arith.constant 0 : i32
      %dma_start3A_270 = arith.constant 0 : i32
      %dma_start3A_271 = tpu.memref_slice %arg12[%dma_start3A_269, %dma_start3A_270] : memref<10000x64xf32, #tpu.memory_space<vmem_shared>> -> memref<10000x64xf32, #tpu.memory_space<vmem_shared>>
      tpu.enqueue_indirect_dma source(%dma_start3A_271 : memref<10000x64xf32, #tpu.memory_space<vmem_shared>>) target(%arg11 : memref<128x64xf32, #tpu.memory_space<vmem>>) offsets(%dma_start3A_268 : memref<128xi32, #tpu.memory_space<vmem>>) semaphore(%arg17 : memref<!tpu.dma_semaphore, #tpu.memory_space<semaphore_mem>>)
      %dma_wait3A_272 = arith.constant 0 : i32
      %dma_wait3A_273 = arith.constant 0 : i32
      %dma_wait3A_274 = tpu.memref_slice %arg6[%dma_wait3A_272, %dma_wait3A_273] : memref<40x128xi32, #tpu.memory_space<vmem>> -> memref<1x128xi32, #tpu.memory_space<vmem>>
      %dma_wait3A_275 = tpu.memref_squeeze %dma_wait3A_274 : memref<1x128xi32, #tpu.memory_space<vmem>> -> memref<128xi32, #tpu.memory_space<vmem>>
      %dma_wait3A_276 = arith.constant 0 : i32
      %dma_wait3A_277 = arith.constant 0 : i32
      %dma_wait3A_278 = tpu.memref_slice %arg12[%dma_wait3A_276, %dma_wait3A_277] : memref<10000x64xf32, #tpu.memory_space<vmem_shared>> -> memref<10000x64xf32, #tpu.memory_space<vmem_shared>>
      tpu.wait_indirect_dma semaphore(%arg16 : memref<!tpu.dma_semaphore, #tpu.memory_space<semaphore_mem>>) src(%dma_wait3A_278 : memref<10000x64xf32, #tpu.memory_space<vmem_shared>>) dst(%arg10 : memref<128x64xf32, #tpu.memory_space<vmem>>)
      %add3A_279 = arith.constant 2 : i32
      %add3A_280 = arith.addi %mul3A_220, %add3A_279 : i32
      %dma_start3A_281 = arith.constant 0 : i32
      %dma_start3A_282 = tpu.memref_slice %arg7[%add3A_280, %dma_start3A_281] : memref<40x128xi32, #tpu.memory_space<vmem>> -> memref<1x128xi32, #tpu.memory_space<vmem>>
      %dma_start3A_283 = tpu.memref_squeeze %dma_start3A_282 : memref<1x128xi32, #tpu.memory_space<vmem>> -> memref<128xi32, #tpu.memory_space<vmem>>
      %dma_start3A_284 = arith.constant 0 : i32
      %dma_start3A_285 = arith.constant 0 : i32
      %dma_start3A_286 = tpu.memref_slice %arg13[%dma_start3A_284, %dma_start3A_285] : memref<10240x64xf32, #tpu.memory_space<vmem_shared>> -> memref<10240x64xf32, #tpu.memory_space<vmem_shared>>
      tpu.enqueue_indirect_dma source(%arg10 : memref<128x64xf32, #tpu.memory_space<vmem>>) target(%dma_start3A_286 : memref<10240x64xf32, #tpu.memory_space<vmem_shared>>) offsets(%dma_start3A_283 : memref<128xi32, #tpu.memory_space<vmem>>) semaphore(%arg20 : memref<!tpu.dma_semaphore, #tpu.memory_space<semaphore_mem>>) {add = true}
      %dma_wait3A_287 = arith.constant 0 : i32
      %dma_wait3A_288 = arith.constant 0 : i32
      %dma_wait3A_289 = tpu.memref_slice %arg7[%dma_wait3A_287, %dma_wait3A_288] : memref<40x128xi32, #tpu.memory_space<vmem>> -> memref<1x128xi32, #tpu.memory_space<vmem>>
      %dma_wait3A_290 = tpu.memref_squeeze %dma_wait3A_289 : memref<1x128xi32, #tpu.memory_space<vmem>> -> memref<128xi32, #tpu.memory_space<vmem>>
      %dma_wait3A_291 = arith.constant 0 : i32
      %dma_wait3A_292 = arith.constant 0 : i32
      %dma_wait3A_293 = tpu.memref_slice %arg13[%dma_wait3A_291, %dma_wait3A_292] : memref<10240x64xf32, #tpu.memory_space<vmem_shared>> -> memref<10240x64xf32, #tpu.memory_space<vmem_shared>>
      tpu.wait_indirect_dma semaphore(%arg18 : memref<!tpu.dma_semaphore, #tpu.memory_space<semaphore_mem>>) src(%arg8 : memref<128x64xf32, #tpu.memory_space<vmem>>) dst(%dma_wait3A_293 : memref<10240x64xf32, #tpu.memory_space<vmem_shared>>)
      %add3A_294 = arith.constant 1 : i32
      %add3A_295 = arith.addi %scan3A_217, %add3A_294 : i32
      %lt3A = arith.constant 10 : i32
      %lt3A_296 = arith.cmpi slt, %add3A_295, %lt3A : i32
      %convert_element_type3A_297 = arith.extui %lt3A_296 : i1 to i32
      %cond3A_298 = arith.constant 0 : i32
      %cond3A_299 = arith.cmpi ne, %convert_element_type3A_297, %cond3A_298 : i32
      scf.if %cond3A_299 {
        %add3A_330 = arith.constant 4 : i32
        %add3A_331 = arith.addi %mul3A_220, %add3A_330 : i32
        %dma_start3A_332 = arith.constant 0 : i32
        %dma_start3A_333 = tpu.memref_slice %arg6[%add3A_331, %dma_start3A_332] : memref<40x128xi32, #tpu.memory_space<vmem>> -> memref<1x128xi32, #tpu.memory_space<vmem>>
        %dma_start3A_334 = tpu.memref_squeeze %dma_start3A_333 : memref<1x128xi32, #tpu.memory_space<vmem>> -> memref<128xi32, #tpu.memory_space<vmem>>
        %dma_start3A_335 = arith.constant 0 : i32
        %dma_start3A_336 = arith.constant 0 : i32
        %dma_start3A_337 = tpu.memref_slice %arg12[%dma_start3A_335, %dma_start3A_336] : memref<10000x64xf32, #tpu.memory_space<vmem_shared>> -> memref<10000x64xf32, #tpu.memory_space<vmem_shared>>
        tpu.enqueue_indirect_dma source(%dma_start3A_337 : memref<10000x64xf32, #tpu.memory_space<vmem_shared>>) target(%arg8 : memref<128x64xf32, #tpu.memory_space<vmem>>) offsets(%dma_start3A_334 : memref<128xi32, #tpu.memory_space<vmem>>) semaphore(%arg14 : memref<!tpu.dma_semaphore, #tpu.memory_space<semaphore_mem>>)
      } else {
      }
      %dma_wait3A_300 = arith.constant 0 : i32
      %dma_wait3A_301 = arith.constant 0 : i32
      %dma_wait3A_302 = tpu.memref_slice %arg6[%dma_wait3A_300, %dma_wait3A_301] : memref<40x128xi32, #tpu.memory_space<vmem>> -> memref<1x128xi32, #tpu.memory_space<vmem>>
      %dma_wait3A_303 = tpu.memref_squeeze %dma_wait3A_302 : memref<1x128xi32, #tpu.memory_space<vmem>> -> memref<128xi32, #tpu.memory_space<vmem>>
      %dma_wait3A_304 = arith.constant 0 : i32
      %dma_wait3A_305 = arith.constant 0 : i32
      %dma_wait3A_306 = tpu.memref_slice %arg12[%dma_wait3A_304, %dma_wait3A_305] : memref<10000x64xf32, #tpu.memory_space<vmem_shared>> -> memref<10000x64xf32, #tpu.memory_space<vmem_shared>>
      tpu.wait_indirect_dma semaphore(%arg17 : memref<!tpu.dma_semaphore, #tpu.memory_space<semaphore_mem>>) src(%dma_wait3A_306 : memref<10000x64xf32, #tpu.memory_space<vmem_shared>>) dst(%arg11 : memref<128x64xf32, #tpu.memory_space<vmem>>)
      %add3A_307 = arith.constant 3 : i32
      %add3A_308 = arith.addi %mul3A_220, %add3A_307 : i32
      %dma_start3A_309 = arith.constant 0 : i32
      %dma_start3A_310 = tpu.memref_slice %arg7[%add3A_308, %dma_start3A_309] : memref<40x128xi32, #tpu.memory_space<vmem>> -> memref<1x128xi32, #tpu.memory_space<vmem>>
      %dma_start3A_311 = tpu.memref_squeeze %dma_start3A_310 : memref<1x128xi32, #tpu.memory_space<vmem>> -> memref<128xi32, #tpu.memory_space<vmem>>
      %dma_start3A_312 = arith.constant 0 : i32
      %dma_start3A_313 = arith.constant 0 : i32
      %dma_start3A_314 = tpu.memref_slice %arg13[%dma_start3A_312, %dma_start3A_313] : memref<10240x64xf32, #tpu.memory_space<vmem_shared>> -> memref<10240x64xf32, #tpu.memory_space<vmem_shared>>
      tpu.enqueue_indirect_dma source(%arg11 : memref<128x64xf32, #tpu.memory_space<vmem>>) target(%dma_start3A_314 : memref<10240x64xf32, #tpu.memory_space<vmem_shared>>) offsets(%dma_start3A_311 : memref<128xi32, #tpu.memory_space<vmem>>) semaphore(%arg21 : memref<!tpu.dma_semaphore, #tpu.memory_space<semaphore_mem>>) {add = true}
      %dma_wait3A_315 = arith.constant 0 : i32
      %dma_wait3A_316 = arith.constant 0 : i32
      %dma_wait3A_317 = tpu.memref_slice %arg7[%dma_wait3A_315, %dma_wait3A_316] : memref<40x128xi32, #tpu.memory_space<vmem>> -> memref<1x128xi32, #tpu.memory_space<vmem>>
      %dma_wait3A_318 = tpu.memref_squeeze %dma_wait3A_317 : memref<1x128xi32, #tpu.memory_space<vmem>> -> memref<128xi32, #tpu.memory_space<vmem>>
      %dma_wait3A_319 = arith.constant 0 : i32
      %dma_wait3A_320 = arith.constant 0 : i32
      %dma_wait3A_321 = tpu.memref_slice %arg13[%dma_wait3A_319, %dma_wait3A_320] : memref<10240x64xf32, #tpu.memory_space<vmem_shared>> -> memref<10240x64xf32, #tpu.memory_space<vmem_shared>>
      tpu.wait_indirect_dma semaphore(%arg19 : memref<!tpu.dma_semaphore, #tpu.memory_space<semaphore_mem>>) src(%arg9 : memref<128x64xf32, #tpu.memory_space<vmem>>) dst(%dma_wait3A_321 : memref<10240x64xf32, #tpu.memory_space<vmem_shared>>)
      %add3A_322 = arith.constant 1 : i32
      %add3A_323 = arith.addi %scan3A_217, %add3A_322 : i32
      %lt3A_324 = arith.constant 10 : i32
      %lt3A_325 = arith.cmpi slt, %add3A_323, %lt3A_324 : i32
      %convert_element_type3A_326 = arith.extui %lt3A_325 : i1 to i32
      %cond3A_327 = arith.constant 0 : i32
      %cond3A_328 = arith.cmpi ne, %convert_element_type3A_326, %cond3A_327 : i32
      scf.if %cond3A_328 {
        %add3A_330 = arith.constant 5 : i32
        %add3A_331 = arith.addi %mul3A_220, %add3A_330 : i32
        %dma_start3A_332 = arith.constant 0 : i32
        %dma_start3A_333 = tpu.memref_slice %arg6[%add3A_331, %dma_start3A_332] : memref<40x128xi32, #tpu.memory_space<vmem>> -> memref<1x128xi32, #tpu.memory_space<vmem>>
        %dma_start3A_334 = tpu.memref_squeeze %dma_start3A_333 : memref<1x128xi32, #tpu.memory_space<vmem>> -> memref<128xi32, #tpu.memory_space<vmem>>
        %dma_start3A_335 = arith.constant 0 : i32
        %dma_start3A_336 = arith.constant 0 : i32
        %dma_start3A_337 = tpu.memref_slice %arg12[%dma_start3A_335, %dma_start3A_336] : memref<10000x64xf32, #tpu.memory_space<vmem_shared>> -> memref<10000x64xf32, #tpu.memory_space<vmem_shared>>
        tpu.enqueue_indirect_dma source(%dma_start3A_337 : memref<10000x64xf32, #tpu.memory_space<vmem_shared>>) target(%arg9 : memref<128x64xf32, #tpu.memory_space<vmem>>) offsets(%dma_start3A_334 : memref<128xi32, #tpu.memory_space<vmem>>) semaphore(%arg15 : memref<!tpu.dma_semaphore, #tpu.memory_space<semaphore_mem>>)
      } else {
      }
      %scan3A_329 = arith.constant 0 : i32
      scf.yield %scan3A_329 : i32
    }
    %scan3A_127 = arith.constant 10 : i32
    %dma_wait3A_128 = arith.constant 0 : i32
    %dma_wait3A_129 = arith.constant 0 : i32
    %dma_wait3A_130 = tpu.memref_slice %arg7[%dma_wait3A_128, %dma_wait3A_129] : memref<40x128xi32, #tpu.memory_space<vmem>> -> memref<1x128xi32, #tpu.memory_space<vmem>>
    %dma_wait3A_131 = tpu.memref_squeeze %dma_wait3A_130 : memref<1x128xi32, #tpu.memory_space<vmem>> -> memref<128xi32, #tpu.memory_space<vmem>>
    %dma_wait3A_132 = arith.constant 0 : i32
    %dma_wait3A_133 = arith.constant 0 : i32
    %dma_wait3A_134 = tpu.memref_slice %arg13[%dma_wait3A_132, %dma_wait3A_133] : memref<10240x64xf32, #tpu.memory_space<vmem_shared>> -> memref<10240x64xf32, #tpu.memory_space<vmem_shared>>
    tpu.wait_indirect_dma semaphore(%arg20 : memref<!tpu.dma_semaphore, #tpu.memory_space<semaphore_mem>>) src(%arg10 : memref<128x64xf32, #tpu.memory_space<vmem>>) dst(%dma_wait3A_134 : memref<10240x64xf32, #tpu.memory_space<vmem_shared>>)
    %dma_wait3A_135 = arith.constant 0 : i32
    %dma_wait3A_136 = arith.constant 0 : i32
    %dma_wait3A_137 = tpu.memref_slice %arg7[%dma_wait3A_135, %dma_wait3A_136] : memref<40x128xi32, #tpu.memory_space<vmem>> -> memref<1x128xi32, #tpu.memory_space<vmem>>
    %dma_wait3A_138 = tpu.memref_squeeze %dma_wait3A_137 : memref<1x128xi32, #tpu.memory_space<vmem>> -> memref<128xi32, #tpu.memory_space<vmem>>
    %dma_wait3A_139 = arith.constant 0 : i32
    %dma_wait3A_140 = arith.constant 0 : i32
    %dma_wait3A_141 = tpu.memref_slice %arg13[%dma_wait3A_139, %dma_wait3A_140] : memref<10240x64xf32, #tpu.memory_space<vmem_shared>> -> memref<10240x64xf32, #tpu.memory_space<vmem_shared>>
    tpu.wait_indirect_dma semaphore(%arg21 : memref<!tpu.dma_semaphore, #tpu.memory_space<semaphore_mem>>) src(%arg11 : memref<128x64xf32, #tpu.memory_space<vmem>>) dst(%dma_wait3A_141 : memref<10240x64xf32, #tpu.memory_space<vmem_shared>>)
    %run_scoped3A_142 = arith.constant 2 : i32
    "tpu.region"() ({
      %run_scoped3A_217 = tpu.sem_alloc : memref<!tpu.dma_semaphore, #tpu.memory_space<semaphore_mem>>
      %dma_start3A_218 = arith.constant 0 : i32
      %dma_start3A_219 = arith.constant 0 : i32
      %dma_start3A_220 = tpu.memref_slice %arg3[%arg1, %run_scoped3A_142, %dma_start3A_218, %dma_start3A_219] : memref<16x4x40x128xi32, #tpu.memory_space<hbm>> -> memref<1x1x40x128xi32, #tpu.memory_space<hbm>>
      %dma_start3A_221 = tpu.memref_squeeze %dma_start3A_220 : memref<1x1x40x128xi32, #tpu.memory_space<hbm>> -> memref<40x128xi32, #tpu.memory_space<hbm>>
      %dma_start3A_222 = arith.constant 0 : i32
      %dma_start3A_223 = arith.constant 0 : i32
      %dma_start3A_224 = tpu.memref_slice %arg3[%arg1, %run_scoped3A_142, %dma_start3A_222, %dma_start3A_223] : memref<16x4x40x128xi32, #tpu.memory_space<hbm>> -> memref<1x1x40x128xi32, #tpu.memory_space<hbm>>
      %dma_start3A_225 = tpu.memref_squeeze %dma_start3A_224 : memref<1x1x40x128xi32, #tpu.memory_space<hbm>> -> memref<40x128xi32, #tpu.memory_space<hbm>>
      tpu.enqueue_dma source(%dma_start3A_225 : memref<40x128xi32, #tpu.memory_space<hbm>>) target(%arg6 : memref<40x128xi32, #tpu.memory_space<vmem>>) target_semaphore(%run_scoped3A_217 : memref<!tpu.dma_semaphore, #tpu.memory_space<semaphore_mem>>)
      %dma_wait3A_226 = arith.constant 0 : i32
      %dma_wait3A_227 = arith.constant 0 : i32
      %dma_wait3A_228 = tpu.memref_slice %arg3[%arg1, %run_scoped3A_142, %dma_wait3A_226, %dma_wait3A_227] : memref<16x4x40x128xi32, #tpu.memory_space<hbm>> -> memref<1x1x40x128xi32, #tpu.memory_space<hbm>>
      %dma_wait3A_229 = tpu.memref_squeeze %dma_wait3A_228 : memref<1x1x40x128xi32, #tpu.memory_space<hbm>> -> memref<40x128xi32, #tpu.memory_space<hbm>>
      %dma_wait3A_230 = arith.constant 0 : i32
      %dma_wait3A_231 = arith.constant 0 : i32
      %dma_wait3A_232 = tpu.memref_slice %arg3[%arg1, %run_scoped3A_142, %dma_wait3A_230, %dma_wait3A_231] : memref<16x4x40x128xi32, #tpu.memory_space<hbm>> -> memref<1x1x40x128xi32, #tpu.memory_space<hbm>>
      %dma_wait3A_233 = tpu.memref_squeeze %dma_wait3A_232 : memref<1x1x40x128xi32, #tpu.memory_space<hbm>> -> memref<40x128xi32, #tpu.memory_space<hbm>>
      tpu.wait_dma2 semaphore(%run_scoped3A_217 : memref<!tpu.dma_semaphore, #tpu.memory_space<semaphore_mem>>) src(%dma_wait3A_233 : memref<40x128xi32, #tpu.memory_space<hbm>>) dst(%arg6 : memref<40x128xi32, #tpu.memory_space<vmem>>)
      tpu.yield
    }) : () -> ()
    %run_scoped3A_143 = arith.constant 2 : i32
    "tpu.region"() ({
      %run_scoped3A_217 = tpu.sem_alloc : memref<!tpu.dma_semaphore, #tpu.memory_space<semaphore_mem>>
      %dma_start3A_218 = arith.constant 0 : i32
      %dma_start3A_219 = arith.constant 0 : i32
      %dma_start3A_220 = tpu.memref_slice %arg4[%arg1, %run_scoped3A_143, %dma_start3A_218, %dma_start3A_219] : memref<16x4x40x128xi32, #tpu.memory_space<hbm>> -> memref<1x1x40x128xi32, #tpu.memory_space<hbm>>
      %dma_start3A_221 = tpu.memref_squeeze %dma_start3A_220 : memref<1x1x40x128xi32, #tpu.memory_space<hbm>> -> memref<40x128xi32, #tpu.memory_space<hbm>>
      %dma_start3A_222 = arith.constant 0 : i32
      %dma_start3A_223 = arith.constant 0 : i32
      %dma_start3A_224 = tpu.memref_slice %arg4[%arg1, %run_scoped3A_143, %dma_start3A_222, %dma_start3A_223] : memref<16x4x40x128xi32, #tpu.memory_space<hbm>> -> memref<1x1x40x128xi32, #tpu.memory_space<hbm>>
      %dma_start3A_225 = tpu.memref_squeeze %dma_start3A_224 : memref<1x1x40x128xi32, #tpu.memory_space<hbm>> -> memref<40x128xi32, #tpu.memory_space<hbm>>
      tpu.enqueue_dma source(%dma_start3A_225 : memref<40x128xi32, #tpu.memory_space<hbm>>) target(%arg7 : memref<40x128xi32, #tpu.memory_space<vmem>>) target_semaphore(%run_scoped3A_217 : memref<!tpu.dma_semaphore, #tpu.memory_space<semaphore_mem>>)
      %dma_wait3A_226 = arith.constant 0 : i32
      %dma_wait3A_227 = arith.constant 0 : i32
      %dma_wait3A_228 = tpu.memref_slice %arg4[%arg1, %run_scoped3A_143, %dma_wait3A_226, %dma_wait3A_227] : memref<16x4x40x128xi32, #tpu.memory_space<hbm>> -> memref<1x1x40x128xi32, #tpu.memory_space<hbm>>
      %dma_wait3A_229 = tpu.memref_squeeze %dma_wait3A_228 : memref<1x1x40x128xi32, #tpu.memory_space<hbm>> -> memref<40x128xi32, #tpu.memory_space<hbm>>
      %dma_wait3A_230 = arith.constant 0 : i32
      %dma_wait3A_231 = arith.constant 0 : i32
      %dma_wait3A_232 = tpu.memref_slice %arg4[%arg1, %run_scoped3A_143, %dma_wait3A_230, %dma_wait3A_231] : memref<16x4x40x128xi32, #tpu.memory_space<hbm>> -> memref<1x1x40x128xi32, #tpu.memory_space<hbm>>
      %dma_wait3A_233 = tpu.memref_squeeze %dma_wait3A_232 : memref<1x1x40x128xi32, #tpu.memory_space<hbm>> -> memref<40x128xi32, #tpu.memory_space<hbm>>
      tpu.wait_dma2 semaphore(%run_scoped3A_217 : memref<!tpu.dma_semaphore, #tpu.memory_space<semaphore_mem>>) src(%dma_wait3A_233 : memref<40x128xi32, #tpu.memory_space<hbm>>) dst(%arg7 : memref<40x128xi32, #tpu.memory_space<vmem>>)
      tpu.yield
    }) : () -> ()
    %dma_start3A_144 = arith.constant 0 : i32
    %dma_start3A_145 = arith.constant 0 : i32
    %dma_start3A_146 = tpu.memref_slice %arg6[%dma_start3A_144, %dma_start3A_145] : memref<40x128xi32, #tpu.memory_space<vmem>> -> memref<1x128xi32, #tpu.memory_space<vmem>>
    %dma_start3A_147 = tpu.memref_squeeze %dma_start3A_146 : memref<1x128xi32, #tpu.memory_space<vmem>> -> memref<128xi32, #tpu.memory_space<vmem>>
    %dma_start3A_148 = arith.constant 0 : i32
    %dma_start3A_149 = arith.constant 0 : i32
    %dma_start3A_150 = tpu.memref_slice %arg12[%dma_start3A_148, %dma_start3A_149] : memref<10000x64xf32, #tpu.memory_space<vmem_shared>> -> memref<10000x64xf32, #tpu.memory_space<vmem_shared>>
    tpu.enqueue_indirect_dma source(%dma_start3A_150 : memref<10000x64xf32, #tpu.memory_space<vmem_shared>>) target(%arg8 : memref<128x64xf32, #tpu.memory_space<vmem>>) offsets(%dma_start3A_147 : memref<128xi32, #tpu.memory_space<vmem>>) semaphore(%arg14 : memref<!tpu.dma_semaphore, #tpu.memory_space<semaphore_mem>>)
    %dma_start3A_151 = arith.constant 1 : i32
    %dma_start3A_152 = arith.constant 0 : i32
    %dma_start3A_153 = tpu.memref_slice %arg6[%dma_start3A_151, %dma_start3A_152] : memref<40x128xi32, #tpu.memory_space<vmem>> -> memref<1x128xi32, #tpu.memory_space<vmem>>
    %dma_start3A_154 = tpu.memref_squeeze %dma_start3A_153 : memref<1x128xi32, #tpu.memory_space<vmem>> -> memref<128xi32, #tpu.memory_space<vmem>>
    %dma_start3A_155 = arith.constant 0 : i32
    %dma_start3A_156 = arith.constant 0 : i32
    %dma_start3A_157 = tpu.memref_slice %arg12[%dma_start3A_155, %dma_start3A_156] : memref<10000x64xf32, #tpu.memory_space<vmem_shared>> -> memref<10000x64xf32, #tpu.memory_space<vmem_shared>>
    tpu.enqueue_indirect_dma source(%dma_start3A_157 : memref<10000x64xf32, #tpu.memory_space<vmem_shared>>) target(%arg9 : memref<128x64xf32, #tpu.memory_space<vmem>>) offsets(%dma_start3A_154 : memref<128xi32, #tpu.memory_space<vmem>>) semaphore(%arg15 : memref<!tpu.dma_semaphore, #tpu.memory_space<semaphore_mem>>)
    %scan3A_158 = arith.constant 0 : i32
    %scan3A_159 = arith.constant 0 : i32
    %scan3A_160 = arith.constant 10 : i32
    %scan3A_161 = arith.addi %scan3A_159, %scan3A_160 : i32
    %scan3A_162 = arith.constant 1 : i32
    %scan3A_163 = scf.for %scan3A_217 = %scan3A_159 to %scan3A_161 step %scan3A_162 iter_args(%scan3A_218 = %scan3A_158) -> (i32)  : i32 {
      %mul3A_219 = arith.constant 4 : i32
      %mul3A_220 = arith.muli %mul3A_219, %scan3A_217 : i32
      %dma_wait3A_221 = arith.constant 0 : i32
      %dma_wait3A_222 = arith.constant 0 : i32
      %dma_wait3A_223 = tpu.memref_slice %arg6[%dma_wait3A_221, %dma_wait3A_222] : memref<40x128xi32, #tpu.memory_space<vmem>> -> memref<1x128xi32, #tpu.memory_space<vmem>>
      %dma_wait3A_224 = tpu.memref_squeeze %dma_wait3A_223 : memref<1x128xi32, #tpu.memory_space<vmem>> -> memref<128xi32, #tpu.memory_space<vmem>>
      %dma_wait3A_225 = arith.constant 0 : i32
      %dma_wait3A_226 = arith.constant 0 : i32
      %dma_wait3A_227 = tpu.memref_slice %arg12[%dma_wait3A_225, %dma_wait3A_226] : memref<10000x64xf32, #tpu.memory_space<vmem_shared>> -> memref<10000x64xf32, #tpu.memory_space<vmem_shared>>
      tpu.wait_indirect_dma semaphore(%arg14 : memref<!tpu.dma_semaphore, #tpu.memory_space<semaphore_mem>>) src(%dma_wait3A_227 : memref<10000x64xf32, #tpu.memory_space<vmem_shared>>) dst(%arg8 : memref<128x64xf32, #tpu.memory_space<vmem>>)
      %dma_start3A_228 = arith.constant 0 : i32
      %dma_start3A_229 = tpu.memref_slice %arg7[%mul3A_220, %dma_start3A_228] : memref<40x128xi32, #tpu.memory_space<vmem>> -> memref<1x128xi32, #tpu.memory_space<vmem>>
      %dma_start3A_230 = tpu.memref_squeeze %dma_start3A_229 : memref<1x128xi32, #tpu.memory_space<vmem>> -> memref<128xi32, #tpu.memory_space<vmem>>
      %dma_start3A_231 = arith.constant 0 : i32
      %dma_start3A_232 = arith.constant 0 : i32
      %dma_start3A_233 = tpu.memref_slice %arg13[%dma_start3A_231, %dma_start3A_232] : memref<10240x64xf32, #tpu.memory_space<vmem_shared>> -> memref<10240x64xf32, #tpu.memory_space<vmem_shared>>
      tpu.enqueue_indirect_dma source(%arg8 : memref<128x64xf32, #tpu.memory_space<vmem>>) target(%dma_start3A_233 : memref<10240x64xf32, #tpu.memory_space<vmem_shared>>) offsets(%dma_start3A_230 : memref<128xi32, #tpu.memory_space<vmem>>) semaphore(%arg18 : memref<!tpu.dma_semaphore, #tpu.memory_space<semaphore_mem>>) {add = true}
      %gt3A = arith.constant 0 : i32
      %gt3A_234 = arith.cmpi sgt, %scan3A_217, %gt3A : i32
      %convert_element_type3A = arith.extui %gt3A_234 : i1 to i32
      %cond3A = arith.constant 0 : i32
      %cond3A_235 = arith.cmpi ne, %convert_element_type3A, %cond3A : i32
      scf.if %cond3A_235 {
        %dma_wait3A_330 = arith.constant 0 : i32
        %dma_wait3A_331 = arith.constant 0 : i32
        %dma_wait3A_332 = tpu.memref_slice %arg7[%dma_wait3A_330, %dma_wait3A_331] : memref<40x128xi32, #tpu.memory_space<vmem>> -> memref<1x128xi32, #tpu.memory_space<vmem>>
        %dma_wait3A_333 = tpu.memref_squeeze %dma_wait3A_332 : memref<1x128xi32, #tpu.memory_space<vmem>> -> memref<128xi32, #tpu.memory_space<vmem>>
        %dma_wait3A_334 = arith.constant 0 : i32
        %dma_wait3A_335 = arith.constant 0 : i32
        %dma_wait3A_336 = tpu.memref_slice %arg13[%dma_wait3A_334, %dma_wait3A_335] : memref<10240x64xf32, #tpu.memory_space<vmem_shared>> -> memref<10240x64xf32, #tpu.memory_space<vmem_shared>>
        tpu.wait_indirect_dma semaphore(%arg20 : memref<!tpu.dma_semaphore, #tpu.memory_space<semaphore_mem>>) src(%arg10 : memref<128x64xf32, #tpu.memory_space<vmem>>) dst(%dma_wait3A_336 : memref<10240x64xf32, #tpu.memory_space<vmem_shared>>)
      } else {
      }
      %add3A_236 = arith.constant 2 : i32
      %add3A_237 = arith.addi %mul3A_220, %add3A_236 : i32
      %dma_start3A_238 = arith.constant 0 : i32
      %dma_start3A_239 = tpu.memref_slice %arg6[%add3A_237, %dma_start3A_238] : memref<40x128xi32, #tpu.memory_space<vmem>> -> memref<1x128xi32, #tpu.memory_space<vmem>>
      %dma_start3A_240 = tpu.memref_squeeze %dma_start3A_239 : memref<1x128xi32, #tpu.memory_space<vmem>> -> memref<128xi32, #tpu.memory_space<vmem>>
      %dma_start3A_241 = arith.constant 0 : i32
      %dma_start3A_242 = arith.constant 0 : i32
      %dma_start3A_243 = tpu.memref_slice %arg12[%dma_start3A_241, %dma_start3A_242] : memref<10000x64xf32, #tpu.memory_space<vmem_shared>> -> memref<10000x64xf32, #tpu.memory_space<vmem_shared>>
      tpu.enqueue_indirect_dma source(%dma_start3A_243 : memref<10000x64xf32, #tpu.memory_space<vmem_shared>>) target(%arg10 : memref<128x64xf32, #tpu.memory_space<vmem>>) offsets(%dma_start3A_240 : memref<128xi32, #tpu.memory_space<vmem>>) semaphore(%arg16 : memref<!tpu.dma_semaphore, #tpu.memory_space<semaphore_mem>>)
      %dma_wait3A_244 = arith.constant 0 : i32
      %dma_wait3A_245 = arith.constant 0 : i32
      %dma_wait3A_246 = tpu.memref_slice %arg6[%dma_wait3A_244, %dma_wait3A_245] : memref<40x128xi32, #tpu.memory_space<vmem>> -> memref<1x128xi32, #tpu.memory_space<vmem>>
      %dma_wait3A_247 = tpu.memref_squeeze %dma_wait3A_246 : memref<1x128xi32, #tpu.memory_space<vmem>> -> memref<128xi32, #tpu.memory_space<vmem>>
      %dma_wait3A_248 = arith.constant 0 : i32
      %dma_wait3A_249 = arith.constant 0 : i32
      %dma_wait3A_250 = tpu.memref_slice %arg12[%dma_wait3A_248, %dma_wait3A_249] : memref<10000x64xf32, #tpu.memory_space<vmem_shared>> -> memref<10000x64xf32, #tpu.memory_space<vmem_shared>>
      tpu.wait_indirect_dma semaphore(%arg15 : memref<!tpu.dma_semaphore, #tpu.memory_space<semaphore_mem>>) src(%dma_wait3A_250 : memref<10000x64xf32, #tpu.memory_space<vmem_shared>>) dst(%arg9 : memref<128x64xf32, #tpu.memory_space<vmem>>)
      %add3A_251 = arith.constant 1 : i32
      %add3A_252 = arith.addi %mul3A_220, %add3A_251 : i32
      %dma_start3A_253 = arith.constant 0 : i32
      %dma_start3A_254 = tpu.memref_slice %arg7[%add3A_252, %dma_start3A_253] : memref<40x128xi32, #tpu.memory_space<vmem>> -> memref<1x128xi32, #tpu.memory_space<vmem>>
      %dma_start3A_255 = tpu.memref_squeeze %dma_start3A_254 : memref<1x128xi32, #tpu.memory_space<vmem>> -> memref<128xi32, #tpu.memory_space<vmem>>
      %dma_start3A_256 = arith.constant 0 : i32
      %dma_start3A_257 = arith.constant 0 : i32
      %dma_start3A_258 = tpu.memref_slice %arg13[%dma_start3A_256, %dma_start3A_257] : memref<10240x64xf32, #tpu.memory_space<vmem_shared>> -> memref<10240x64xf32, #tpu.memory_space<vmem_shared>>
      tpu.enqueue_indirect_dma source(%arg9 : memref<128x64xf32, #tpu.memory_space<vmem>>) target(%dma_start3A_258 : memref<10240x64xf32, #tpu.memory_space<vmem_shared>>) offsets(%dma_start3A_255 : memref<128xi32, #tpu.memory_space<vmem>>) semaphore(%arg19 : memref<!tpu.dma_semaphore, #tpu.memory_space<semaphore_mem>>) {add = true}
      %gt3A_259 = arith.constant 0 : i32
      %gt3A_260 = arith.cmpi sgt, %scan3A_217, %gt3A_259 : i32
      %convert_element_type3A_261 = arith.extui %gt3A_260 : i1 to i32
      %cond3A_262 = arith.constant 0 : i32
      %cond3A_263 = arith.cmpi ne, %convert_element_type3A_261, %cond3A_262 : i32
      scf.if %cond3A_263 {
        %dma_wait3A_330 = arith.constant 0 : i32
        %dma_wait3A_331 = arith.constant 0 : i32
        %dma_wait3A_332 = tpu.memref_slice %arg7[%dma_wait3A_330, %dma_wait3A_331] : memref<40x128xi32, #tpu.memory_space<vmem>> -> memref<1x128xi32, #tpu.memory_space<vmem>>
        %dma_wait3A_333 = tpu.memref_squeeze %dma_wait3A_332 : memref<1x128xi32, #tpu.memory_space<vmem>> -> memref<128xi32, #tpu.memory_space<vmem>>
        %dma_wait3A_334 = arith.constant 0 : i32
        %dma_wait3A_335 = arith.constant 0 : i32
        %dma_wait3A_336 = tpu.memref_slice %arg13[%dma_wait3A_334, %dma_wait3A_335] : memref<10240x64xf32, #tpu.memory_space<vmem_shared>> -> memref<10240x64xf32, #tpu.memory_space<vmem_shared>>
        tpu.wait_indirect_dma semaphore(%arg21 : memref<!tpu.dma_semaphore, #tpu.memory_space<semaphore_mem>>) src(%arg11 : memref<128x64xf32, #tpu.memory_space<vmem>>) dst(%dma_wait3A_336 : memref<10240x64xf32, #tpu.memory_space<vmem_shared>>)
      } else {
      }
      %add3A_264 = arith.constant 3 : i32
      %add3A_265 = arith.addi %mul3A_220, %add3A_264 : i32
      %dma_start3A_266 = arith.constant 0 : i32
      %dma_start3A_267 = tpu.memref_slice %arg6[%add3A_265, %dma_start3A_266] : memref<40x128xi32, #tpu.memory_space<vmem>> -> memref<1x128xi32, #tpu.memory_space<vmem>>
      %dma_start3A_268 = tpu.memref_squeeze %dma_start3A_267 : memref<1x128xi32, #tpu.memory_space<vmem>> -> memref<128xi32, #tpu.memory_space<vmem>>
      %dma_start3A_269 = arith.constant 0 : i32
      %dma_start3A_270 = arith.constant 0 : i32
      %dma_start3A_271 = tpu.memref_slice %arg12[%dma_start3A_269, %dma_start3A_270] : memref<10000x64xf32, #tpu.memory_space<vmem_shared>> -> memref<10000x64xf32, #tpu.memory_space<vmem_shared>>
      tpu.enqueue_indirect_dma source(%dma_start3A_271 : memref<10000x64xf32, #tpu.memory_space<vmem_shared>>) target(%arg11 : memref<128x64xf32, #tpu.memory_space<vmem>>) offsets(%dma_start3A_268 : memref<128xi32, #tpu.memory_space<vmem>>) semaphore(%arg17 : memref<!tpu.dma_semaphore, #tpu.memory_space<semaphore_mem>>)
      %dma_wait3A_272 = arith.constant 0 : i32
      %dma_wait3A_273 = arith.constant 0 : i32
      %dma_wait3A_274 = tpu.memref_slice %arg6[%dma_wait3A_272, %dma_wait3A_273] : memref<40x128xi32, #tpu.memory_space<vmem>> -> memref<1x128xi32, #tpu.memory_space<vmem>>
      %dma_wait3A_275 = tpu.memref_squeeze %dma_wait3A_274 : memref<1x128xi32, #tpu.memory_space<vmem>> -> memref<128xi32, #tpu.memory_space<vmem>>
      %dma_wait3A_276 = arith.constant 0 : i32
      %dma_wait3A_277 = arith.constant 0 : i32
      %dma_wait3A_278 = tpu.memref_slice %arg12[%dma_wait3A_276, %dma_wait3A_277] : memref<10000x64xf32, #tpu.memory_space<vmem_shared>> -> memref<10000x64xf32, #tpu.memory_space<vmem_shared>>
      tpu.wait_indirect_dma semaphore(%arg16 : memref<!tpu.dma_semaphore, #tpu.memory_space<semaphore_mem>>) src(%dma_wait3A_278 : memref<10000x64xf32, #tpu.memory_space<vmem_shared>>) dst(%arg10 : memref<128x64xf32, #tpu.memory_space<vmem>>)
      %add3A_279 = arith.constant 2 : i32
      %add3A_280 = arith.addi %mul3A_220, %add3A_279 : i32
      %dma_start3A_281 = arith.constant 0 : i32
      %dma_start3A_282 = tpu.memref_slice %arg7[%add3A_280, %dma_start3A_281] : memref<40x128xi32, #tpu.memory_space<vmem>> -> memref<1x128xi32, #tpu.memory_space<vmem>>
      %dma_start3A_283 = tpu.memref_squeeze %dma_start3A_282 : memref<1x128xi32, #tpu.memory_space<vmem>> -> memref<128xi32, #tpu.memory_space<vmem>>
      %dma_start3A_284 = arith.constant 0 : i32
      %dma_start3A_285 = arith.constant 0 : i32
      %dma_start3A_286 = tpu.memref_slice %arg13[%dma_start3A_284, %dma_start3A_285] : memref<10240x64xf32, #tpu.memory_space<vmem_shared>> -> memref<10240x64xf32, #tpu.memory_space<vmem_shared>>
      tpu.enqueue_indirect_dma source(%arg10 : memref<128x64xf32, #tpu.memory_space<vmem>>) target(%dma_start3A_286 : memref<10240x64xf32, #tpu.memory_space<vmem_shared>>) offsets(%dma_start3A_283 : memref<128xi32, #tpu.memory_space<vmem>>) semaphore(%arg20 : memref<!tpu.dma_semaphore, #tpu.memory_space<semaphore_mem>>) {add = true}
      %dma_wait3A_287 = arith.constant 0 : i32
      %dma_wait3A_288 = arith.constant 0 : i32
      %dma_wait3A_289 = tpu.memref_slice %arg7[%dma_wait3A_287, %dma_wait3A_288] : memref<40x128xi32, #tpu.memory_space<vmem>> -> memref<1x128xi32, #tpu.memory_space<vmem>>
      %dma_wait3A_290 = tpu.memref_squeeze %dma_wait3A_289 : memref<1x128xi32, #tpu.memory_space<vmem>> -> memref<128xi32, #tpu.memory_space<vmem>>
      %dma_wait3A_291 = arith.constant 0 : i32
      %dma_wait3A_292 = arith.constant 0 : i32
      %dma_wait3A_293 = tpu.memref_slice %arg13[%dma_wait3A_291, %dma_wait3A_292] : memref<10240x64xf32, #tpu.memory_space<vmem_shared>> -> memref<10240x64xf32, #tpu.memory_space<vmem_shared>>
      tpu.wait_indirect_dma semaphore(%arg18 : memref<!tpu.dma_semaphore, #tpu.memory_space<semaphore_mem>>) src(%arg8 : memref<128x64xf32, #tpu.memory_space<vmem>>) dst(%dma_wait3A_293 : memref<10240x64xf32, #tpu.memory_space<vmem_shared>>)
      %add3A_294 = arith.constant 1 : i32
      %add3A_295 = arith.addi %scan3A_217, %add3A_294 : i32
      %lt3A = arith.constant 10 : i32
      %lt3A_296 = arith.cmpi slt, %add3A_295, %lt3A : i32
      %convert_element_type3A_297 = arith.extui %lt3A_296 : i1 to i32
      %cond3A_298 = arith.constant 0 : i32
      %cond3A_299 = arith.cmpi ne, %convert_element_type3A_297, %cond3A_298 : i32
      scf.if %cond3A_299 {
        %add3A_330 = arith.constant 4 : i32
        %add3A_331 = arith.addi %mul3A_220, %add3A_330 : i32
        %dma_start3A_332 = arith.constant 0 : i32
        %dma_start3A_333 = tpu.memref_slice %arg6[%add3A_331, %dma_start3A_332] : memref<40x128xi32, #tpu.memory_space<vmem>> -> memref<1x128xi32, #tpu.memory_space<vmem>>
        %dma_start3A_334 = tpu.memref_squeeze %dma_start3A_333 : memref<1x128xi32, #tpu.memory_space<vmem>> -> memref<128xi32, #tpu.memory_space<vmem>>
        %dma_start3A_335 = arith.constant 0 : i32
        %dma_start3A_336 = arith.constant 0 : i32
        %dma_start3A_337 = tpu.memref_slice %arg12[%dma_start3A_335, %dma_start3A_336] : memref<10000x64xf32, #tpu.memory_space<vmem_shared>> -> memref<10000x64xf32, #tpu.memory_space<vmem_shared>>
        tpu.enqueue_indirect_dma source(%dma_start3A_337 : memref<10000x64xf32, #tpu.memory_space<vmem_shared>>) target(%arg8 : memref<128x64xf32, #tpu.memory_space<vmem>>) offsets(%dma_start3A_334 : memref<128xi32, #tpu.memory_space<vmem>>) semaphore(%arg14 : memref<!tpu.dma_semaphore, #tpu.memory_space<semaphore_mem>>)
      } else {
      }
      %dma_wait3A_300 = arith.constant 0 : i32
      %dma_wait3A_301 = arith.constant 0 : i32
      %dma_wait3A_302 = tpu.memref_slice %arg6[%dma_wait3A_300, %dma_wait3A_301] : memref<40x128xi32, #tpu.memory_space<vmem>> -> memref<1x128xi32, #tpu.memory_space<vmem>>
      %dma_wait3A_303 = tpu.memref_squeeze %dma_wait3A_302 : memref<1x128xi32, #tpu.memory_space<vmem>> -> memref<128xi32, #tpu.memory_space<vmem>>
      %dma_wait3A_304 = arith.constant 0 : i32
      %dma_wait3A_305 = arith.constant 0 : i32
      %dma_wait3A_306 = tpu.memref_slice %arg12[%dma_wait3A_304, %dma_wait3A_305] : memref<10000x64xf32, #tpu.memory_space<vmem_shared>> -> memref<10000x64xf32, #tpu.memory_space<vmem_shared>>
      tpu.wait_indirect_dma semaphore(%arg17 : memref<!tpu.dma_semaphore, #tpu.memory_space<semaphore_mem>>) src(%dma_wait3A_306 : memref<10000x64xf32, #tpu.memory_space<vmem_shared>>) dst(%arg11 : memref<128x64xf32, #tpu.memory_space<vmem>>)
      %add3A_307 = arith.constant 3 : i32
      %add3A_308 = arith.addi %mul3A_220, %add3A_307 : i32
      %dma_start3A_309 = arith.constant 0 : i32
      %dma_start3A_310 = tpu.memref_slice %arg7[%add3A_308, %dma_start3A_309] : memref<40x128xi32, #tpu.memory_space<vmem>> -> memref<1x128xi32, #tpu.memory_space<vmem>>
      %dma_start3A_311 = tpu.memref_squeeze %dma_start3A_310 : memref<1x128xi32, #tpu.memory_space<vmem>> -> memref<128xi32, #tpu.memory_space<vmem>>
      %dma_start3A_312 = arith.constant 0 : i32
      %dma_start3A_313 = arith.constant 0 : i32
      %dma_start3A_314 = tpu.memref_slice %arg13[%dma_start3A_312, %dma_start3A_313] : memref<10240x64xf32, #tpu.memory_space<vmem_shared>> -> memref<10240x64xf32, #tpu.memory_space<vmem_shared>>
      tpu.enqueue_indirect_dma source(%arg11 : memref<128x64xf32, #tpu.memory_space<vmem>>) target(%dma_start3A_314 : memref<10240x64xf32, #tpu.memory_space<vmem_shared>>) offsets(%dma_start3A_311 : memref<128xi32, #tpu.memory_space<vmem>>) semaphore(%arg21 : memref<!tpu.dma_semaphore, #tpu.memory_space<semaphore_mem>>) {add = true}
      %dma_wait3A_315 = arith.constant 0 : i32
      %dma_wait3A_316 = arith.constant 0 : i32
      %dma_wait3A_317 = tpu.memref_slice %arg7[%dma_wait3A_315, %dma_wait3A_316] : memref<40x128xi32, #tpu.memory_space<vmem>> -> memref<1x128xi32, #tpu.memory_space<vmem>>
      %dma_wait3A_318 = tpu.memref_squeeze %dma_wait3A_317 : memref<1x128xi32, #tpu.memory_space<vmem>> -> memref<128xi32, #tpu.memory_space<vmem>>
      %dma_wait3A_319 = arith.constant 0 : i32
      %dma_wait3A_320 = arith.constant 0 : i32
      %dma_wait3A_321 = tpu.memref_slice %arg13[%dma_wait3A_319, %dma_wait3A_320] : memref<10240x64xf32, #tpu.memory_space<vmem_shared>> -> memref<10240x64xf32, #tpu.memory_space<vmem_shared>>
      tpu.wait_indirect_dma semaphore(%arg19 : memref<!tpu.dma_semaphore, #tpu.memory_space<semaphore_mem>>) src(%arg9 : memref<128x64xf32, #tpu.memory_space<vmem>>) dst(%dma_wait3A_321 : memref<10240x64xf32, #tpu.memory_space<vmem_shared>>)
      %add3A_322 = arith.constant 1 : i32
      %add3A_323 = arith.addi %scan3A_217, %add3A_322 : i32
      %lt3A_324 = arith.constant 10 : i32
      %lt3A_325 = arith.cmpi slt, %add3A_323, %lt3A_324 : i32
      %convert_element_type3A_326 = arith.extui %lt3A_325 : i1 to i32
      %cond3A_327 = arith.constant 0 : i32
      %cond3A_328 = arith.cmpi ne, %convert_element_type3A_326, %cond3A_327 : i32
      scf.if %cond3A_328 {
        %add3A_330 = arith.constant 5 : i32
        %add3A_331 = arith.addi %mul3A_220, %add3A_330 : i32
        %dma_start3A_332 = arith.constant 0 : i32
        %dma_start3A_333 = tpu.memref_slice %arg6[%add3A_331, %dma_start3A_332] : memref<40x128xi32, #tpu.memory_space<vmem>> -> memref<1x128xi32, #tpu.memory_space<vmem>>
        %dma_start3A_334 = tpu.memref_squeeze %dma_start3A_333 : memref<1x128xi32, #tpu.memory_space<vmem>> -> memref<128xi32, #tpu.memory_space<vmem>>
        %dma_start3A_335 = arith.constant 0 : i32
        %dma_start3A_336 = arith.constant 0 : i32
        %dma_start3A_337 = tpu.memref_slice %arg12[%dma_start3A_335, %dma_start3A_336] : memref<10000x64xf32, #tpu.memory_space<vmem_shared>> -> memref<10000x64xf32, #tpu.memory_space<vmem_shared>>
        tpu.enqueue_indirect_dma source(%dma_start3A_337 : memref<10000x64xf32, #tpu.memory_space<vmem_shared>>) target(%arg9 : memref<128x64xf32, #tpu.memory_space<vmem>>) offsets(%dma_start3A_334 : memref<128xi32, #tpu.memory_space<vmem>>) semaphore(%arg15 : memref<!tpu.dma_semaphore, #tpu.memory_space<semaphore_mem>>)
      } else {
      }
      %scan3A_329 = arith.constant 0 : i32
      scf.yield %scan3A_329 : i32
    }
    %scan3A_164 = arith.constant 10 : i32
    %dma_wait3A_165 = arith.constant 0 : i32
    %dma_wait3A_166 = arith.constant 0 : i32
    %dma_wait3A_167 = tpu.memref_slice %arg7[%dma_wait3A_165, %dma_wait3A_166] : memref<40x128xi32, #tpu.memory_space<vmem>> -> memref<1x128xi32, #tpu.memory_space<vmem>>
    %dma_wait3A_168 = tpu.memref_squeeze %dma_wait3A_167 : memref<1x128xi32, #tpu.memory_space<vmem>> -> memref<128xi32, #tpu.memory_space<vmem>>
    %dma_wait3A_169 = arith.constant 0 : i32
    %dma_wait3A_170 = arith.constant 0 : i32
    %dma_wait3A_171 = tpu.memref_slice %arg13[%dma_wait3A_169, %dma_wait3A_170] : memref<10240x64xf32, #tpu.memory_space<vmem_shared>> -> memref<10240x64xf32, #tpu.memory_space<vmem_shared>>
    tpu.wait_indirect_dma semaphore(%arg20 : memref<!tpu.dma_semaphore, #tpu.memory_space<semaphore_mem>>) src(%arg10 : memref<128x64xf32, #tpu.memory_space<vmem>>) dst(%dma_wait3A_171 : memref<10240x64xf32, #tpu.memory_space<vmem_shared>>)
    %dma_wait3A_172 = arith.constant 0 : i32
    %dma_wait3A_173 = arith.constant 0 : i32
    %dma_wait3A_174 = tpu.memref_slice %arg7[%dma_wait3A_172, %dma_wait3A_173] : memref<40x128xi32, #tpu.memory_space<vmem>> -> memref<1x128xi32, #tpu.memory_space<vmem>>
    %dma_wait3A_175 = tpu.memref_squeeze %dma_wait3A_174 : memref<1x128xi32, #tpu.memory_space<vmem>> -> memref<128xi32, #tpu.memory_space<vmem>>
    %dma_wait3A_176 = arith.constant 0 : i32
    %dma_wait3A_177 = arith.constant 0 : i32
    %dma_wait3A_178 = tpu.memref_slice %arg13[%dma_wait3A_176, %dma_wait3A_177] : memref<10240x64xf32, #tpu.memory_space<vmem_shared>> -> memref<10240x64xf32, #tpu.memory_space<vmem_shared>>
    tpu.wait_indirect_dma semaphore(%arg21 : memref<!tpu.dma_semaphore, #tpu.memory_space<semaphore_mem>>) src(%arg11 : memref<128x64xf32, #tpu.memory_space<vmem>>) dst(%dma_wait3A_178 : memref<10240x64xf32, #tpu.memory_space<vmem_shared>>)
    %run_scoped3A_179 = arith.constant 3 : i32
    "tpu.region"() ({
      %run_scoped3A_217 = tpu.sem_alloc : memref<!tpu.dma_semaphore, #tpu.memory_space<semaphore_mem>>
      %dma_start3A_218 = arith.constant 0 : i32
      %dma_start3A_219 = arith.constant 0 : i32
      %dma_start3A_220 = tpu.memref_slice %arg3[%arg1, %run_scoped3A_179, %dma_start3A_218, %dma_start3A_219] : memref<16x4x40x128xi32, #tpu.memory_space<hbm>> -> memref<1x1x40x128xi32, #tpu.memory_space<hbm>>
      %dma_start3A_221 = tpu.memref_squeeze %dma_start3A_220 : memref<1x1x40x128xi32, #tpu.memory_space<hbm>> -> memref<40x128xi32, #tpu.memory_space<hbm>>
      %dma_start3A_222 = arith.constant 0 : i32
      %dma_start3A_223 = arith.constant 0 : i32
      %dma_start3A_224 = tpu.memref_slice %arg3[%arg1, %run_scoped3A_179, %dma_start3A_222, %dma_start3A_223] : memref<16x4x40x128xi32, #tpu.memory_space<hbm>> -> memref<1x1x40x128xi32, #tpu.memory_space<hbm>>
      %dma_start3A_225 = tpu.memref_squeeze %dma_start3A_224 : memref<1x1x40x128xi32, #tpu.memory_space<hbm>> -> memref<40x128xi32, #tpu.memory_space<hbm>>
      tpu.enqueue_dma source(%dma_start3A_225 : memref<40x128xi32, #tpu.memory_space<hbm>>) target(%arg6 : memref<40x128xi32, #tpu.memory_space<vmem>>) target_semaphore(%run_scoped3A_217 : memref<!tpu.dma_semaphore, #tpu.memory_space<semaphore_mem>>)
      %dma_wait3A_226 = arith.constant 0 : i32
      %dma_wait3A_227 = arith.constant 0 : i32
      %dma_wait3A_228 = tpu.memref_slice %arg3[%arg1, %run_scoped3A_179, %dma_wait3A_226, %dma_wait3A_227] : memref<16x4x40x128xi32, #tpu.memory_space<hbm>> -> memref<1x1x40x128xi32, #tpu.memory_space<hbm>>
      %dma_wait3A_229 = tpu.memref_squeeze %dma_wait3A_228 : memref<1x1x40x128xi32, #tpu.memory_space<hbm>> -> memref<40x128xi32, #tpu.memory_space<hbm>>
      %dma_wait3A_230 = arith.constant 0 : i32
      %dma_wait3A_231 = arith.constant 0 : i32
      %dma_wait3A_232 = tpu.memref_slice %arg3[%arg1, %run_scoped3A_179, %dma_wait3A_230, %dma_wait3A_231] : memref<16x4x40x128xi32, #tpu.memory_space<hbm>> -> memref<1x1x40x128xi32, #tpu.memory_space<hbm>>
      %dma_wait3A_233 = tpu.memref_squeeze %dma_wait3A_232 : memref<1x1x40x128xi32, #tpu.memory_space<hbm>> -> memref<40x128xi32, #tpu.memory_space<hbm>>
      tpu.wait_dma2 semaphore(%run_scoped3A_217 : memref<!tpu.dma_semaphore, #tpu.memory_space<semaphore_mem>>) src(%dma_wait3A_233 : memref<40x128xi32, #tpu.memory_space<hbm>>) dst(%arg6 : memref<40x128xi32, #tpu.memory_space<vmem>>)
      tpu.yield
    }) : () -> ()
    %run_scoped3A_180 = arith.constant 3 : i32
    "tpu.region"() ({
      %run_scoped3A_217 = tpu.sem_alloc : memref<!tpu.dma_semaphore, #tpu.memory_space<semaphore_mem>>
      %dma_start3A_218 = arith.constant 0 : i32
      %dma_start3A_219 = arith.constant 0 : i32
      %dma_start3A_220 = tpu.memref_slice %arg4[%arg1, %run_scoped3A_180, %dma_start3A_218, %dma_start3A_219] : memref<16x4x40x128xi32, #tpu.memory_space<hbm>> -> memref<1x1x40x128xi32, #tpu.memory_space<hbm>>
      %dma_start3A_221 = tpu.memref_squeeze %dma_start3A_220 : memref<1x1x40x128xi32, #tpu.memory_space<hbm>> -> memref<40x128xi32, #tpu.memory_space<hbm>>
      %dma_start3A_222 = arith.constant 0 : i32
      %dma_start3A_223 = arith.constant 0 : i32
      %dma_start3A_224 = tpu.memref_slice %arg4[%arg1, %run_scoped3A_180, %dma_start3A_222, %dma_start3A_223] : memref<16x4x40x128xi32, #tpu.memory_space<hbm>> -> memref<1x1x40x128xi32, #tpu.memory_space<hbm>>
      %dma_start3A_225 = tpu.memref_squeeze %dma_start3A_224 : memref<1x1x40x128xi32, #tpu.memory_space<hbm>> -> memref<40x128xi32, #tpu.memory_space<hbm>>
      tpu.enqueue_dma source(%dma_start3A_225 : memref<40x128xi32, #tpu.memory_space<hbm>>) target(%arg7 : memref<40x128xi32, #tpu.memory_space<vmem>>) target_semaphore(%run_scoped3A_217 : memref<!tpu.dma_semaphore, #tpu.memory_space<semaphore_mem>>)
      %dma_wait3A_226 = arith.constant 0 : i32
      %dma_wait3A_227 = arith.constant 0 : i32
      %dma_wait3A_228 = tpu.memref_slice %arg4[%arg1, %run_scoped3A_180, %dma_wait3A_226, %dma_wait3A_227] : memref<16x4x40x128xi32, #tpu.memory_space<hbm>> -> memref<1x1x40x128xi32, #tpu.memory_space<hbm>>
      %dma_wait3A_229 = tpu.memref_squeeze %dma_wait3A_228 : memref<1x1x40x128xi32, #tpu.memory_space<hbm>> -> memref<40x128xi32, #tpu.memory_space<hbm>>
      %dma_wait3A_230 = arith.constant 0 : i32
      %dma_wait3A_231 = arith.constant 0 : i32
      %dma_wait3A_232 = tpu.memref_slice %arg4[%arg1, %run_scoped3A_180, %dma_wait3A_230, %dma_wait3A_231] : memref<16x4x40x128xi32, #tpu.memory_space<hbm>> -> memref<1x1x40x128xi32, #tpu.memory_space<hbm>>
      %dma_wait3A_233 = tpu.memref_squeeze %dma_wait3A_232 : memref<1x1x40x128xi32, #tpu.memory_space<hbm>> -> memref<40x128xi32, #tpu.memory_space<hbm>>
      tpu.wait_dma2 semaphore(%run_scoped3A_217 : memref<!tpu.dma_semaphore, #tpu.memory_space<semaphore_mem>>) src(%dma_wait3A_233 : memref<40x128xi32, #tpu.memory_space<hbm>>) dst(%arg7 : memref<40x128xi32, #tpu.memory_space<vmem>>)
      tpu.yield
    }) : () -> ()
    %dma_start3A_181 = arith.constant 0 : i32
    %dma_start3A_182 = arith.constant 0 : i32
    %dma_start3A_183 = tpu.memref_slice %arg6[%dma_start3A_181, %dma_start3A_182] : memref<40x128xi32, #tpu.memory_space<vmem>> -> memref<1x128xi32, #tpu.memory_space<vmem>>
    %dma_start3A_184 = tpu.memref_squeeze %dma_start3A_183 : memref<1x128xi32, #tpu.memory_space<vmem>> -> memref<128xi32, #tpu.memory_space<vmem>>
    %dma_start3A_185 = arith.constant 0 : i32
    %dma_start3A_186 = arith.constant 0 : i32
    %dma_start3A_187 = tpu.memref_slice %arg12[%dma_start3A_185, %dma_start3A_186] : memref<10000x64xf32, #tpu.memory_space<vmem_shared>> -> memref<10000x64xf32, #tpu.memory_space<vmem_shared>>
    tpu.enqueue_indirect_dma source(%dma_start3A_187 : memref<10000x64xf32, #tpu.memory_space<vmem_shared>>) target(%arg8 : memref<128x64xf32, #tpu.memory_space<vmem>>) offsets(%dma_start3A_184 : memref<128xi32, #tpu.memory_space<vmem>>) semaphore(%arg14 : memref<!tpu.dma_semaphore, #tpu.memory_space<semaphore_mem>>)
    %dma_start3A_188 = arith.constant 1 : i32
    %dma_start3A_189 = arith.constant 0 : i32
    %dma_start3A_190 = tpu.memref_slice %arg6[%dma_start3A_188, %dma_start3A_189] : memref<40x128xi32, #tpu.memory_space<vmem>> -> memref<1x128xi32, #tpu.memory_space<vmem>>
    %dma_start3A_191 = tpu.memref_squeeze %dma_start3A_190 : memref<1x128xi32, #tpu.memory_space<vmem>> -> memref<128xi32, #tpu.memory_space<vmem>>
    %dma_start3A_192 = arith.constant 0 : i32
    %dma_start3A_193 = arith.constant 0 : i32
    %dma_start3A_194 = tpu.memref_slice %arg12[%dma_start3A_192, %dma_start3A_193] : memref<10000x64xf32, #tpu.memory_space<vmem_shared>> -> memref<10000x64xf32, #tpu.memory_space<vmem_shared>>
    tpu.enqueue_indirect_dma source(%dma_start3A_194 : memref<10000x64xf32, #tpu.memory_space<vmem_shared>>) target(%arg9 : memref<128x64xf32, #tpu.memory_space<vmem>>) offsets(%dma_start3A_191 : memref<128xi32, #tpu.memory_space<vmem>>) semaphore(%arg15 : memref<!tpu.dma_semaphore, #tpu.memory_space<semaphore_mem>>)
    %scan3A_195 = arith.constant 0 : i32
    %scan3A_196 = arith.constant 0 : i32
    %scan3A_197 = arith.constant 10 : i32
    %scan3A_198 = arith.addi %scan3A_196, %scan3A_197 : i32
    %scan3A_199 = arith.constant 1 : i32
    %scan3A_200 = scf.for %scan3A_217 = %scan3A_196 to %scan3A_198 step %scan3A_199 iter_args(%scan3A_218 = %scan3A_195) -> (i32)  : i32 {
      %mul3A_219 = arith.constant 4 : i32
      %mul3A_220 = arith.muli %mul3A_219, %scan3A_217 : i32
      %dma_wait3A_221 = arith.constant 0 : i32
      %dma_wait3A_222 = arith.constant 0 : i32
      %dma_wait3A_223 = tpu.memref_slice %arg6[%dma_wait3A_221, %dma_wait3A_222] : memref<40x128xi32, #tpu.memory_space<vmem>> -> memref<1x128xi32, #tpu.memory_space<vmem>>
      %dma_wait3A_224 = tpu.memref_squeeze %dma_wait3A_223 : memref<1x128xi32, #tpu.memory_space<vmem>> -> memref<128xi32, #tpu.memory_space<vmem>>
      %dma_wait3A_225 = arith.constant 0 : i32
      %dma_wait3A_226 = arith.constant 0 : i32
      %dma_wait3A_227 = tpu.memref_slice %arg12[%dma_wait3A_225, %dma_wait3A_226] : memref<10000x64xf32, #tpu.memory_space<vmem_shared>> -> memref<10000x64xf32, #tpu.memory_space<vmem_shared>>
      tpu.wait_indirect_dma semaphore(%arg14 : memref<!tpu.dma_semaphore, #tpu.memory_space<semaphore_mem>>) src(%dma_wait3A_227 : memref<10000x64xf32, #tpu.memory_space<vmem_shared>>) dst(%arg8 : memref<128x64xf32, #tpu.memory_space<vmem>>)
      %dma_start3A_228 = arith.constant 0 : i32
      %dma_start3A_229 = tpu.memref_slice %arg7[%mul3A_220, %dma_start3A_228] : memref<40x128xi32, #tpu.memory_space<vmem>> -> memref<1x128xi32, #tpu.memory_space<vmem>>
      %dma_start3A_230 = tpu.memref_squeeze %dma_start3A_229 : memref<1x128xi32, #tpu.memory_space<vmem>> -> memref<128xi32, #tpu.memory_space<vmem>>
      %dma_start3A_231 = arith.constant 0 : i32
      %dma_start3A_232 = arith.constant 0 : i32
      %dma_start3A_233 = tpu.memref_slice %arg13[%dma_start3A_231, %dma_start3A_232] : memref<10240x64xf32, #tpu.memory_space<vmem_shared>> -> memref<10240x64xf32, #tpu.memory_space<vmem_shared>>
      tpu.enqueue_indirect_dma source(%arg8 : memref<128x64xf32, #tpu.memory_space<vmem>>) target(%dma_start3A_233 : memref<10240x64xf32, #tpu.memory_space<vmem_shared>>) offsets(%dma_start3A_230 : memref<128xi32, #tpu.memory_space<vmem>>) semaphore(%arg18 : memref<!tpu.dma_semaphore, #tpu.memory_space<semaphore_mem>>) {add = true}
      %gt3A = arith.constant 0 : i32
      %gt3A_234 = arith.cmpi sgt, %scan3A_217, %gt3A : i32
      %convert_element_type3A = arith.extui %gt3A_234 : i1 to i32
      %cond3A = arith.constant 0 : i32
      %cond3A_235 = arith.cmpi ne, %convert_element_type3A, %cond3A : i32
      scf.if %cond3A_235 {
        %dma_wait3A_330 = arith.constant 0 : i32
        %dma_wait3A_331 = arith.constant 0 : i32
        %dma_wait3A_332 = tpu.memref_slice %arg7[%dma_wait3A_330, %dma_wait3A_331] : memref<40x128xi32, #tpu.memory_space<vmem>> -> memref<1x128xi32, #tpu.memory_space<vmem>>
        %dma_wait3A_333 = tpu.memref_squeeze %dma_wait3A_332 : memref<1x128xi32, #tpu.memory_space<vmem>> -> memref<128xi32, #tpu.memory_space<vmem>>
        %dma_wait3A_334 = arith.constant 0 : i32
        %dma_wait3A_335 = arith.constant 0 : i32
        %dma_wait3A_336 = tpu.memref_slice %arg13[%dma_wait3A_334, %dma_wait3A_335] : memref<10240x64xf32, #tpu.memory_space<vmem_shared>> -> memref<10240x64xf32, #tpu.memory_space<vmem_shared>>
        tpu.wait_indirect_dma semaphore(%arg20 : memref<!tpu.dma_semaphore, #tpu.memory_space<semaphore_mem>>) src(%arg10 : memref<128x64xf32, #tpu.memory_space<vmem>>) dst(%dma_wait3A_336 : memref<10240x64xf32, #tpu.memory_space<vmem_shared>>)
      } else {
      }
      %add3A_236 = arith.constant 2 : i32
      %add3A_237 = arith.addi %mul3A_220, %add3A_236 : i32
      %dma_start3A_238 = arith.constant 0 : i32
      %dma_start3A_239 = tpu.memref_slice %arg6[%add3A_237, %dma_start3A_238] : memref<40x128xi32, #tpu.memory_space<vmem>> -> memref<1x128xi32, #tpu.memory_space<vmem>>
      %dma_start3A_240 = tpu.memref_squeeze %dma_start3A_239 : memref<1x128xi32, #tpu.memory_space<vmem>> -> memref<128xi32, #tpu.memory_space<vmem>>
      %dma_start3A_241 = arith.constant 0 : i32
      %dma_start3A_242 = arith.constant 0 : i32
      %dma_start3A_243 = tpu.memref_slice %arg12[%dma_start3A_241, %dma_start3A_242] : memref<10000x64xf32, #tpu.memory_space<vmem_shared>> -> memref<10000x64xf32, #tpu.memory_space<vmem_shared>>
      tpu.enqueue_indirect_dma source(%dma_start3A_243 : memref<10000x64xf32, #tpu.memory_space<vmem_shared>>) target(%arg10 : memref<128x64xf32, #tpu.memory_space<vmem>>) offsets(%dma_start3A_240 : memref<128xi32, #tpu.memory_space<vmem>>) semaphore(%arg16 : memref<!tpu.dma_semaphore, #tpu.memory_space<semaphore_mem>>)
      %dma_wait3A_244 = arith.constant 0 : i32
      %dma_wait3A_245 = arith.constant 0 : i32
      %dma_wait3A_246 = tpu.memref_slice %arg6[%dma_wait3A_244, %dma_wait3A_245] : memref<40x128xi32, #tpu.memory_space<vmem>> -> memref<1x128xi32, #tpu.memory_space<vmem>>
      %dma_wait3A_247 = tpu.memref_squeeze %dma_wait3A_246 : memref<1x128xi32, #tpu.memory_space<vmem>> -> memref<128xi32, #tpu.memory_space<vmem>>
      %dma_wait3A_248 = arith.constant 0 : i32
      %dma_wait3A_249 = arith.constant 0 : i32
      %dma_wait3A_250 = tpu.memref_slice %arg12[%dma_wait3A_248, %dma_wait3A_249] : memref<10000x64xf32, #tpu.memory_space<vmem_shared>> -> memref<10000x64xf32, #tpu.memory_space<vmem_shared>>
      tpu.wait_indirect_dma semaphore(%arg15 : memref<!tpu.dma_semaphore, #tpu.memory_space<semaphore_mem>>) src(%dma_wait3A_250 : memref<10000x64xf32, #tpu.memory_space<vmem_shared>>) dst(%arg9 : memref<128x64xf32, #tpu.memory_space<vmem>>)
      %add3A_251 = arith.constant 1 : i32
      %add3A_252 = arith.addi %mul3A_220, %add3A_251 : i32
      %dma_start3A_253 = arith.constant 0 : i32
      %dma_start3A_254 = tpu.memref_slice %arg7[%add3A_252, %dma_start3A_253] : memref<40x128xi32, #tpu.memory_space<vmem>> -> memref<1x128xi32, #tpu.memory_space<vmem>>
      %dma_start3A_255 = tpu.memref_squeeze %dma_start3A_254 : memref<1x128xi32, #tpu.memory_space<vmem>> -> memref<128xi32, #tpu.memory_space<vmem>>
      %dma_start3A_256 = arith.constant 0 : i32
      %dma_start3A_257 = arith.constant 0 : i32
      %dma_start3A_258 = tpu.memref_slice %arg13[%dma_start3A_256, %dma_start3A_257] : memref<10240x64xf32, #tpu.memory_space<vmem_shared>> -> memref<10240x64xf32, #tpu.memory_space<vmem_shared>>
      tpu.enqueue_indirect_dma source(%arg9 : memref<128x64xf32, #tpu.memory_space<vmem>>) target(%dma_start3A_258 : memref<10240x64xf32, #tpu.memory_space<vmem_shared>>) offsets(%dma_start3A_255 : memref<128xi32, #tpu.memory_space<vmem>>) semaphore(%arg19 : memref<!tpu.dma_semaphore, #tpu.memory_space<semaphore_mem>>) {add = true}
      %gt3A_259 = arith.constant 0 : i32
      %gt3A_260 = arith.cmpi sgt, %scan3A_217, %gt3A_259 : i32
      %convert_element_type3A_261 = arith.extui %gt3A_260 : i1 to i32
      %cond3A_262 = arith.constant 0 : i32
      %cond3A_263 = arith.cmpi ne, %convert_element_type3A_261, %cond3A_262 : i32
      scf.if %cond3A_263 {
        %dma_wait3A_330 = arith.constant 0 : i32
        %dma_wait3A_331 = arith.constant 0 : i32
        %dma_wait3A_332 = tpu.memref_slice %arg7[%dma_wait3A_330, %dma_wait3A_331] : memref<40x128xi32, #tpu.memory_space<vmem>> -> memref<1x128xi32, #tpu.memory_space<vmem>>
        %dma_wait3A_333 = tpu.memref_squeeze %dma_wait3A_332 : memref<1x128xi32, #tpu.memory_space<vmem>> -> memref<128xi32, #tpu.memory_space<vmem>>
        %dma_wait3A_334 = arith.constant 0 : i32
        %dma_wait3A_335 = arith.constant 0 : i32
        %dma_wait3A_336 = tpu.memref_slice %arg13[%dma_wait3A_334, %dma_wait3A_335] : memref<10240x64xf32, #tpu.memory_space<vmem_shared>> -> memref<10240x64xf32, #tpu.memory_space<vmem_shared>>
        tpu.wait_indirect_dma semaphore(%arg21 : memref<!tpu.dma_semaphore, #tpu.memory_space<semaphore_mem>>) src(%arg11 : memref<128x64xf32, #tpu.memory_space<vmem>>) dst(%dma_wait3A_336 : memref<10240x64xf32, #tpu.memory_space<vmem_shared>>)
      } else {
      }
      %add3A_264 = arith.constant 3 : i32
      %add3A_265 = arith.addi %mul3A_220, %add3A_264 : i32
      %dma_start3A_266 = arith.constant 0 : i32
      %dma_start3A_267 = tpu.memref_slice %arg6[%add3A_265, %dma_start3A_266] : memref<40x128xi32, #tpu.memory_space<vmem>> -> memref<1x128xi32, #tpu.memory_space<vmem>>
      %dma_start3A_268 = tpu.memref_squeeze %dma_start3A_267 : memref<1x128xi32, #tpu.memory_space<vmem>> -> memref<128xi32, #tpu.memory_space<vmem>>
      %dma_start3A_269 = arith.constant 0 : i32
      %dma_start3A_270 = arith.constant 0 : i32
      %dma_start3A_271 = tpu.memref_slice %arg12[%dma_start3A_269, %dma_start3A_270] : memref<10000x64xf32, #tpu.memory_space<vmem_shared>> -> memref<10000x64xf32, #tpu.memory_space<vmem_shared>>
      tpu.enqueue_indirect_dma source(%dma_start3A_271 : memref<10000x64xf32, #tpu.memory_space<vmem_shared>>) target(%arg11 : memref<128x64xf32, #tpu.memory_space<vmem>>) offsets(%dma_start3A_268 : memref<128xi32, #tpu.memory_space<vmem>>) semaphore(%arg17 : memref<!tpu.dma_semaphore, #tpu.memory_space<semaphore_mem>>)
      %dma_wait3A_272 = arith.constant 0 : i32
      %dma_wait3A_273 = arith.constant 0 : i32
      %dma_wait3A_274 = tpu.memref_slice %arg6[%dma_wait3A_272, %dma_wait3A_273] : memref<40x128xi32, #tpu.memory_space<vmem>> -> memref<1x128xi32, #tpu.memory_space<vmem>>
      %dma_wait3A_275 = tpu.memref_squeeze %dma_wait3A_274 : memref<1x128xi32, #tpu.memory_space<vmem>> -> memref<128xi32, #tpu.memory_space<vmem>>
      %dma_wait3A_276 = arith.constant 0 : i32
      %dma_wait3A_277 = arith.constant 0 : i32
      %dma_wait3A_278 = tpu.memref_slice %arg12[%dma_wait3A_276, %dma_wait3A_277] : memref<10000x64xf32, #tpu.memory_space<vmem_shared>> -> memref<10000x64xf32, #tpu.memory_space<vmem_shared>>
      tpu.wait_indirect_dma semaphore(%arg16 : memref<!tpu.dma_semaphore, #tpu.memory_space<semaphore_mem>>) src(%dma_wait3A_278 : memref<10000x64xf32, #tpu.memory_space<vmem_shared>>) dst(%arg10 : memref<128x64xf32, #tpu.memory_space<vmem>>)
      %add3A_279 = arith.constant 2 : i32
      %add3A_280 = arith.addi %mul3A_220, %add3A_279 : i32
      %dma_start3A_281 = arith.constant 0 : i32
      %dma_start3A_282 = tpu.memref_slice %arg7[%add3A_280, %dma_start3A_281] : memref<40x128xi32, #tpu.memory_space<vmem>> -> memref<1x128xi32, #tpu.memory_space<vmem>>
      %dma_start3A_283 = tpu.memref_squeeze %dma_start3A_282 : memref<1x128xi32, #tpu.memory_space<vmem>> -> memref<128xi32, #tpu.memory_space<vmem>>
      %dma_start3A_284 = arith.constant 0 : i32
      %dma_start3A_285 = arith.constant 0 : i32
      %dma_start3A_286 = tpu.memref_slice %arg13[%dma_start3A_284, %dma_start3A_285] : memref<10240x64xf32, #tpu.memory_space<vmem_shared>> -> memref<10240x64xf32, #tpu.memory_space<vmem_shared>>
      tpu.enqueue_indirect_dma source(%arg10 : memref<128x64xf32, #tpu.memory_space<vmem>>) target(%dma_start3A_286 : memref<10240x64xf32, #tpu.memory_space<vmem_shared>>) offsets(%dma_start3A_283 : memref<128xi32, #tpu.memory_space<vmem>>) semaphore(%arg20 : memref<!tpu.dma_semaphore, #tpu.memory_space<semaphore_mem>>) {add = true}
      %dma_wait3A_287 = arith.constant 0 : i32
      %dma_wait3A_288 = arith.constant 0 : i32
      %dma_wait3A_289 = tpu.memref_slice %arg7[%dma_wait3A_287, %dma_wait3A_288] : memref<40x128xi32, #tpu.memory_space<vmem>> -> memref<1x128xi32, #tpu.memory_space<vmem>>
      %dma_wait3A_290 = tpu.memref_squeeze %dma_wait3A_289 : memref<1x128xi32, #tpu.memory_space<vmem>> -> memref<128xi32, #tpu.memory_space<vmem>>
      %dma_wait3A_291 = arith.constant 0 : i32
      %dma_wait3A_292 = arith.constant 0 : i32
      %dma_wait3A_293 = tpu.memref_slice %arg13[%dma_wait3A_291, %dma_wait3A_292] : memref<10240x64xf32, #tpu.memory_space<vmem_shared>> -> memref<10240x64xf32, #tpu.memory_space<vmem_shared>>
      tpu.wait_indirect_dma semaphore(%arg18 : memref<!tpu.dma_semaphore, #tpu.memory_space<semaphore_mem>>) src(%arg8 : memref<128x64xf32, #tpu.memory_space<vmem>>) dst(%dma_wait3A_293 : memref<10240x64xf32, #tpu.memory_space<vmem_shared>>)
      %add3A_294 = arith.constant 1 : i32
      %add3A_295 = arith.addi %scan3A_217, %add3A_294 : i32
      %lt3A = arith.constant 10 : i32
      %lt3A_296 = arith.cmpi slt, %add3A_295, %lt3A : i32
      %convert_element_type3A_297 = arith.extui %lt3A_296 : i1 to i32
      %cond3A_298 = arith.constant 0 : i32
      %cond3A_299 = arith.cmpi ne, %convert_element_type3A_297, %cond3A_298 : i32
      scf.if %cond3A_299 {
        %add3A_330 = arith.constant 4 : i32
        %add3A_331 = arith.addi %mul3A_220, %add3A_330 : i32
        %dma_start3A_332 = arith.constant 0 : i32
        %dma_start3A_333 = tpu.memref_slice %arg6[%add3A_331, %dma_start3A_332] : memref<40x128xi32, #tpu.memory_space<vmem>> -> memref<1x128xi32, #tpu.memory_space<vmem>>
        %dma_start3A_334 = tpu.memref_squeeze %dma_start3A_333 : memref<1x128xi32, #tpu.memory_space<vmem>> -> memref<128xi32, #tpu.memory_space<vmem>>
        %dma_start3A_335 = arith.constant 0 : i32
        %dma_start3A_336 = arith.constant 0 : i32
        %dma_start3A_337 = tpu.memref_slice %arg12[%dma_start3A_335, %dma_start3A_336] : memref<10000x64xf32, #tpu.memory_space<vmem_shared>> -> memref<10000x64xf32, #tpu.memory_space<vmem_shared>>
        tpu.enqueue_indirect_dma source(%dma_start3A_337 : memref<10000x64xf32, #tpu.memory_space<vmem_shared>>) target(%arg8 : memref<128x64xf32, #tpu.memory_space<vmem>>) offsets(%dma_start3A_334 : memref<128xi32, #tpu.memory_space<vmem>>) semaphore(%arg14 : memref<!tpu.dma_semaphore, #tpu.memory_space<semaphore_mem>>)
      } else {
      }
      %dma_wait3A_300 = arith.constant 0 : i32
      %dma_wait3A_301 = arith.constant 0 : i32
      %dma_wait3A_302 = tpu.memref_slice %arg6[%dma_wait3A_300, %dma_wait3A_301] : memref<40x128xi32, #tpu.memory_space<vmem>> -> memref<1x128xi32, #tpu.memory_space<vmem>>
      %dma_wait3A_303 = tpu.memref_squeeze %dma_wait3A_302 : memref<1x128xi32, #tpu.memory_space<vmem>> -> memref<128xi32, #tpu.memory_space<vmem>>
      %dma_wait3A_304 = arith.constant 0 : i32
      %dma_wait3A_305 = arith.constant 0 : i32
      %dma_wait3A_306 = tpu.memref_slice %arg12[%dma_wait3A_304, %dma_wait3A_305] : memref<10000x64xf32, #tpu.memory_space<vmem_shared>> -> memref<10000x64xf32, #tpu.memory_space<vmem_shared>>
      tpu.wait_indirect_dma semaphore(%arg17 : memref<!tpu.dma_semaphore, #tpu.memory_space<semaphore_mem>>) src(%dma_wait3A_306 : memref<10000x64xf32, #tpu.memory_space<vmem_shared>>) dst(%arg11 : memref<128x64xf32, #tpu.memory_space<vmem>>)
      %add3A_307 = arith.constant 3 : i32
      %add3A_308 = arith.addi %mul3A_220, %add3A_307 : i32
      %dma_start3A_309 = arith.constant 0 : i32
      %dma_start3A_310 = tpu.memref_slice %arg7[%add3A_308, %dma_start3A_309] : memref<40x128xi32, #tpu.memory_space<vmem>> -> memref<1x128xi32, #tpu.memory_space<vmem>>
      %dma_start3A_311 = tpu.memref_squeeze %dma_start3A_310 : memref<1x128xi32, #tpu.memory_space<vmem>> -> memref<128xi32, #tpu.memory_space<vmem>>
      %dma_start3A_312 = arith.constant 0 : i32
      %dma_start3A_313 = arith.constant 0 : i32
      %dma_start3A_314 = tpu.memref_slice %arg13[%dma_start3A_312, %dma_start3A_313] : memref<10240x64xf32, #tpu.memory_space<vmem_shared>> -> memref<10240x64xf32, #tpu.memory_space<vmem_shared>>
      tpu.enqueue_indirect_dma source(%arg11 : memref<128x64xf32, #tpu.memory_space<vmem>>) target(%dma_start3A_314 : memref<10240x64xf32, #tpu.memory_space<vmem_shared>>) offsets(%dma_start3A_311 : memref<128xi32, #tpu.memory_space<vmem>>) semaphore(%arg21 : memref<!tpu.dma_semaphore, #tpu.memory_space<semaphore_mem>>) {add = true}
      %dma_wait3A_315 = arith.constant 0 : i32
      %dma_wait3A_316 = arith.constant 0 : i32
      %dma_wait3A_317 = tpu.memref_slice %arg7[%dma_wait3A_315, %dma_wait3A_316] : memref<40x128xi32, #tpu.memory_space<vmem>> -> memref<1x128xi32, #tpu.memory_space<vmem>>
      %dma_wait3A_318 = tpu.memref_squeeze %dma_wait3A_317 : memref<1x128xi32, #tpu.memory_space<vmem>> -> memref<128xi32, #tpu.memory_space<vmem>>
      %dma_wait3A_319 = arith.constant 0 : i32
      %dma_wait3A_320 = arith.constant 0 : i32
      %dma_wait3A_321 = tpu.memref_slice %arg13[%dma_wait3A_319, %dma_wait3A_320] : memref<10240x64xf32, #tpu.memory_space<vmem_shared>> -> memref<10240x64xf32, #tpu.memory_space<vmem_shared>>
      tpu.wait_indirect_dma semaphore(%arg19 : memref<!tpu.dma_semaphore, #tpu.memory_space<semaphore_mem>>) src(%arg9 : memref<128x64xf32, #tpu.memory_space<vmem>>) dst(%dma_wait3A_321 : memref<10240x64xf32, #tpu.memory_space<vmem_shared>>)
      %add3A_322 = arith.constant 1 : i32
      %add3A_323 = arith.addi %scan3A_217, %add3A_322 : i32
      %lt3A_324 = arith.constant 10 : i32
      %lt3A_325 = arith.cmpi slt, %add3A_323, %lt3A_324 : i32
      %convert_element_type3A_326 = arith.extui %lt3A_325 : i1 to i32
      %cond3A_327 = arith.constant 0 : i32
      %cond3A_328 = arith.cmpi ne, %convert_element_type3A_326, %cond3A_327 : i32
      scf.if %cond3A_328 {
        %add3A_330 = arith.constant 5 : i32
        %add3A_331 = arith.addi %mul3A_220, %add3A_330 : i32
        %dma_start3A_332 = arith.constant 0 : i32
        %dma_start3A_333 = tpu.memref_slice %arg6[%add3A_331, %dma_start3A_332] : memref<40x128xi32, #tpu.memory_space<vmem>> -> memref<1x128xi32, #tpu.memory_space<vmem>>
        %dma_start3A_334 = tpu.memref_squeeze %dma_start3A_333 : memref<1x128xi32, #tpu.memory_space<vmem>> -> memref<128xi32, #tpu.memory_space<vmem>>
        %dma_start3A_335 = arith.constant 0 : i32
        %dma_start3A_336 = arith.constant 0 : i32
        %dma_start3A_337 = tpu.memref_slice %arg12[%dma_start3A_335, %dma_start3A_336] : memref<10000x64xf32, #tpu.memory_space<vmem_shared>> -> memref<10000x64xf32, #tpu.memory_space<vmem_shared>>
        tpu.enqueue_indirect_dma source(%dma_start3A_337 : memref<10000x64xf32, #tpu.memory_space<vmem_shared>>) target(%arg9 : memref<128x64xf32, #tpu.memory_space<vmem>>) offsets(%dma_start3A_334 : memref<128xi32, #tpu.memory_space<vmem>>) semaphore(%arg15 : memref<!tpu.dma_semaphore, #tpu.memory_space<semaphore_mem>>)
      } else {
      }
      %scan3A_329 = arith.constant 0 : i32
      scf.yield %scan3A_329 : i32
    }
    %scan3A_201 = arith.constant 10 : i32
    %dma_wait3A_202 = arith.constant 0 : i32
    %dma_wait3A_203 = arith.constant 0 : i32
    %dma_wait3A_204 = tpu.memref_slice %arg7[%dma_wait3A_202, %dma_wait3A_203] : memref<40x128xi32, #tpu.memory_space<vmem>> -> memref<1x128xi32, #tpu.memory_space<vmem>>
    %dma_wait3A_205 = tpu.memref_squeeze %dma_wait3A_204 : memref<1x128xi32, #tpu.memory_space<vmem>> -> memref<128xi32, #tpu.memory_space<vmem>>
    %dma_wait3A_206 = arith.constant 0 : i32
    %dma_wait3A_207 = arith.constant 0 : i32
    %dma_wait3A_208 = tpu.memref_slice %arg13[%dma_wait3A_206, %dma_wait3A_207] : memref<10240x64xf32, #tpu.memory_space<vmem_shared>> -> memref<10240x64xf32, #tpu.memory_space<vmem_shared>>
    tpu.wait_indirect_dma semaphore(%arg20 : memref<!tpu.dma_semaphore, #tpu.memory_space<semaphore_mem>>) src(%arg10 : memref<128x64xf32, #tpu.memory_space<vmem>>) dst(%dma_wait3A_208 : memref<10240x64xf32, #tpu.memory_space<vmem_shared>>)
    %dma_wait3A_209 = arith.constant 0 : i32
    %dma_wait3A_210 = arith.constant 0 : i32
    %dma_wait3A_211 = tpu.memref_slice %arg7[%dma_wait3A_209, %dma_wait3A_210] : memref<40x128xi32, #tpu.memory_space<vmem>> -> memref<1x128xi32, #tpu.memory_space<vmem>>
    %dma_wait3A_212 = tpu.memref_squeeze %dma_wait3A_211 : memref<1x128xi32, #tpu.memory_space<vmem>> -> memref<128xi32, #tpu.memory_space<vmem>>
    %dma_wait3A_213 = arith.constant 0 : i32
    %dma_wait3A_214 = arith.constant 0 : i32
    %dma_wait3A_215 = tpu.memref_slice %arg13[%dma_wait3A_213, %dma_wait3A_214] : memref<10240x64xf32, #tpu.memory_space<vmem_shared>> -> memref<10240x64xf32, #tpu.memory_space<vmem_shared>>
    tpu.wait_indirect_dma semaphore(%arg21 : memref<!tpu.dma_semaphore, #tpu.memory_space<semaphore_mem>>) src(%arg11 : memref<128x64xf32, #tpu.memory_space<vmem>>) dst(%dma_wait3A_215 : memref<10240x64xf32, #tpu.memory_space<vmem_shared>>)
    %barrier3A_216 = arith.constant 0 : index
    tpu.barrier barrier_id(%barrier3A_216)
    "tpu.region"() ({
      %run_scoped3A_217 = tpu.sem_alloc : memref<!tpu.dma_semaphore, #tpu.memory_space<semaphore_mem>>
      %dma_start3A_218 = arith.constant 0 : i32
      %dma_start3A_219 = tpu.memref_slice %arg5[%arg0, %mul3A_0, %dma_start3A_218] : memref<2x10240x64xf32, #tpu.memory_space<hbm>> -> memref<1x640x64xf32, #tpu.memory_space<hbm>>
      %dma_start3A_220 = tpu.memref_squeeze %dma_start3A_219 : memref<1x640x64xf32, #tpu.memory_space<hbm>> -> memref<640x64xf32, #tpu.memory_space<hbm>>
      %dma_start3A_221 = arith.constant 0 : i32
      %dma_start3A_222 = tpu.memref_slice %arg13[%mul3A_0, %dma_start3A_221] : memref<10240x64xf32, #tpu.memory_space<vmem_shared>> -> memref<640x64xf32, #tpu.memory_space<vmem_shared>>
      tpu.enqueue_dma source(%dma_start3A_222 : memref<640x64xf32, #tpu.memory_space<vmem_shared>>) target(%dma_start3A_220 : memref<640x64xf32, #tpu.memory_space<hbm>>) target_semaphore(%run_scoped3A_217 : memref<!tpu.dma_semaphore, #tpu.memory_space<semaphore_mem>>)
      %dma_wait3A_223 = arith.constant 0 : i32
      %dma_wait3A_224 = tpu.memref_slice %arg5[%arg0, %mul3A_0, %dma_wait3A_223] : memref<2x10240x64xf32, #tpu.memory_space<hbm>> -> memref<1x640x64xf32, #tpu.memory_space<hbm>>
      %dma_wait3A_225 = tpu.memref_squeeze %dma_wait3A_224 : memref<1x640x64xf32, #tpu.memory_space<hbm>> -> memref<640x64xf32, #tpu.memory_space<hbm>>
      %dma_wait3A_226 = arith.constant 0 : i32
      %dma_wait3A_227 = tpu.memref_slice %arg13[%mul3A_0, %dma_wait3A_226] : memref<10240x64xf32, #tpu.memory_space<vmem_shared>> -> memref<640x64xf32, #tpu.memory_space<vmem_shared>>
      tpu.wait_dma2 semaphore(%run_scoped3A_217 : memref<!tpu.dma_semaphore, #tpu.memory_space<semaphore_mem>>) src(%dma_wait3A_227 : memref<640x64xf32, #tpu.memory_space<vmem_shared>>) dst(%dma_wait3A_225 : memref<640x64xf32, #tpu.memory_space<hbm>>)
      tpu.yield
    }) : () -> ()
    return
  }
}

module attributes {stable_mosaic.version = 14 : i64} {
  func.func @body(%arg0: i32, %arg1: memref<1000x128xf32, #tpu.memory_space<vmem>>, %arg2: memref<2x1000x64xf32, #tpu.memory_space<vmem>>, %arg3: memref<1000x128xf32, #tpu.memory_space<vmem>>) attributes {dimension_semantics = [#tpu.dimension_semantics<arbitrary>], iteration_bounds = array<i64: 10>, scalar_prefetch = 0 : i64, scratch_operands = 0 : i64, tpu.core_type = #tpu.core_type<tc>, window_params = [{transform_indices = @transform_0, window_bounds = array<i64: 1000, 128>}, {transform_indices = @transform_1, window_bounds = array<i64: 2, 1000, 64>}, {transform_indices = @transform_2, window_bounds = array<i64: 1000, 128>}]} {
    %get3A = arith.constant 0 : index
    %get3A_0 = arith.constant 0 : index
    %get3A_1 = vector.load %arg1[%get3A, %get3A_0] : memref<1000x128xf32, #tpu.memory_space<vmem>>, vector<1000x64xf32>
    %get3A_2 = arith.constant 0 : index
    %get3A_3 = arith.constant 0 : index
    %get3A_4 = arith.constant 0 : index
    %get3A_5 = vector.load %arg2[%get3A_2, %get3A_3, %get3A_4] : memref<2x1000x64xf32, #tpu.memory_space<vmem>>, vector<1x1000x64xf32>
    %get3A_6 = vector.shape_cast %get3A_5 : vector<1x1000x64xf32> to vector<1000x64xf32>
    %mul3A = arith.constant 1.000000e-01 : f32
    %mul3A_7 = vector.broadcast %mul3A : f32 to vector<1000x64xf32>
    %mul3A_8 = arith.mulf %mul3A_7, %get3A_6 : vector<1000x64xf32>
    %add3A = arith.addf %get3A_1, %mul3A_8 : vector<1000x64xf32>
    %swap3A = arith.constant 0 : index
    %swap3A_9 = arith.constant 0 : index
    %swap3A_10 = vector.load %arg3[%swap3A, %swap3A_9] : memref<1000x128xf32, #tpu.memory_space<vmem>>, vector<1000x64xf32>
    tpu.vector_store %arg3[%swap3A, %swap3A_9], %add3A {strides = array<i32>} : memref<1000x128xf32, #tpu.memory_space<vmem>>, vector<1000x64xf32>,
    %get3A_11 = arith.constant 0 : index
    %get3A_12 = arith.constant 64 : index
    %get3A_13 = vector.load %arg1[%get3A_11, %get3A_12] : memref<1000x128xf32, #tpu.memory_space<vmem>>, vector<1000x64xf32>
    %get3A_14 = arith.constant 1 : index
    %get3A_15 = arith.constant 0 : index
    %get3A_16 = arith.constant 0 : index
    %get3A_17 = vector.load %arg2[%get3A_14, %get3A_15, %get3A_16] : memref<2x1000x64xf32, #tpu.memory_space<vmem>>, vector<1x1000x64xf32>
    %get3A_18 = vector.shape_cast %get3A_17 : vector<1x1000x64xf32> to vector<1000x64xf32>
    %mul3A_19 = arith.constant 1.000000e-01 : f32
    %mul3A_20 = vector.broadcast %mul3A_19 : f32 to vector<1000x64xf32>
    %mul3A_21 = arith.mulf %mul3A_20, %get3A_18 : vector<1000x64xf32>
    %add3A_22 = arith.addf %get3A_13, %mul3A_21 : vector<1000x64xf32>
    %swap3A_23 = arith.constant 0 : index
    %swap3A_24 = arith.constant 64 : index
    %swap3A_25 = vector.load %arg3[%swap3A_23, %swap3A_24] : memref<1000x128xf32, #tpu.memory_space<vmem>>, vector<1000x64xf32>
    tpu.vector_store %arg3[%swap3A_23, %swap3A_24], %add3A_22 {strides = array<i32>} : memref<1000x128xf32, #tpu.memory_space<vmem>>, vector<1000x64xf32>,
    return
  }
  func.func @transform_0(%arg0: i32) -> (i32, i32) {
    %c0_i32 = arith.constant 0 : i32
    %c0_i32_0 = arith.constant 0 : i32
    return %arg0, %c0_i32 : i32, i32
  }
  func.func @transform_1(%arg0: i32) -> (i32, i32, i32) {
    %c0_i32 = arith.constant 0 : i32
    %c0_i32_0 = arith.constant 0 : i32
    %c0_i32_1 = arith.constant 0 : i32
    return %c0_i32, %arg0, %c0_i32_0 : i32, i32, i32
  }
  func.func @transform_2(%arg0: i32) -> (i32, i32) {
    %c0_i32 = arith.constant 0 : i32
    %c0_i32_0 = arith.constant 0 : i32
    return %arg0, %c0_i32 : i32, i32
  }
}

</mosaic_0001>

<sc_bundles>
// kernel: kernel.4.cloned.1.call-start
scs
__scs_entry_jumppad:
0x0: {  	(pc) =	sbr.rel $0x88, $3  }
0x1: {  	(tag) =	ssettag $0x0;
	lr =	simm.s32 $0x1  }
0x2: {  	[smem:$0x3F9F] =	sst lr;
	_ =	strace $0xD0000000  }
0x3: {  	_ = 	snop  }
0x4: {  	_ = 	snop  }
0x5: {  	_ = 	snop  }
0x6: {  	_ = 	snop  }
0x7: {  	_ = 	snop  }
__scs_overlays_trampoline_lowered:
0x8: {  	[smem:$0x3FAE] =	sst s0  }
0x9: {  	[smem:$0x3FAF] =	sst s1  }
0xa: {  	[smem:$0x3FB0] =	sst s2  }
0xb: {  	[smem:$0x3FB1] =	sst s3  }
0xc: {  	[smem:$0x3FB2] =	sst s4  }
0xd: {  	[smem:$0x3FB3] =	sst s5  }
0xe: {  	[smem:$0x3FB4] =	sst s6  }
0xf: {  	[smem:$0x3FB5] =	sst s7  }
0x10: {  	[smem:$0x3FB6] =	sst s8  }
0x11: {  	[smem:$0x3FB7] =	sst s9;
	s0 =	simm.s32 @!p0 $0x0  }
0x12: {  	s1 =	sld [smem:$0x3F9D];
	s0 =	simm.s32 @p0 $0x1  }
0x13: {  	[smem:$0x3FB8] =	sst s0;
	s0 =	simm.s32 @!p1 $0x0  }
0x14: {  	s2 =	sld [smem:$0x3F9C];
	s0 =	simm.s32 @p1 $0x1  }
0x15: {  	[smem:$0x3FB9] =	sst s0;
	s0 =	simm.s32 @!p2 $0x0  }
0x16: {  	s3 =	sld [smem:$0x3FDB];
	s0 =	simm.s32 @p2 $0x1  }
0x17: {  	s4 =	simm.s32 $0x1BF5;
	[smem:$0x3FBB] =	sst s0  }
0x18: {  	s0 =	sld [smem:$0x3F9E];
	_ =	swait.ge [sflag:s4], $0x0  }
0x19: {  	s7 =	sld [smem:$0x3F9F]  }
0x1a: {  	s8 =	sadd.s32 $0xFFFFE003, lr  }
0x1b: {  	s9 =	sadd.s32 $0xFFFFFEF7, lr;
	s5 =	simm.s32 $0xFFFFFFFF;
	p2 =	slt.u32 s8, $0xFFFFF086  }
0x1c: {  	p1 =	slt.u32 s9, $0xF7A;
	s5 =	simm.s32 @!p2 $0x0  }
0x1d: {  	s5 =	simm.s32 @p1 $0x1;
	p0 =	seq.s32 s7, s2  }
0x1e: {  	s7 =	smul.u32 @!p0 $0xF7A, s2;
	p2 =	seq.s32 @!p0 s5, $0x0  }
0x1f: {  	s9 =	smul.u32 $0xF7A, s1;
	s8 =	simm.s32 @!p0 $0x1BF5;
	p2 =	por !p2, p0  }
0x20: {  	[sflag:s8] =	ssyncset.s32 @!p0 $0xFFFFF086;
	s6 =	sadd.s32 @!p0 s3, s7;
	s7 =	simm.s32 @!p0 $0x108  }
0x21: {  	s3 =	sadd.s32 s3, s9;
	s6 =	sadd.s32 @!p0 $0x88, s6;
	s7 =	simm.s32 @p2 $0x1082  }
0x22: {  	[simem:s7], [sflag:s8] =	dma.local @!p0 [hbm:s6], $0xF7A  }
0x23: {  	s9 =	sor.u32 $0xD0000000, s2;
	s6 =	simm.s32 $0x108;
	_ =	swait.ge @!p0 [sflag:s8], $0x0  }
0x24: {  	s3 =	sadd.s32 $0x88, s3;
	s6 =	simm.s32 @!p1 $0x1082;
	[sflag:s4] =	ssyncset.s32 $0xFFFFF086  }
0x25: {  	[simem:s6], [sflag:s4] =	dma.local [hbm:s3], $0xF7A  }
0x26: {  	[smem:$0x3F9F] =	sst s1;
	(tag) =	ssettag s2;
	_ =	strace s9  }
0x27: {  	s1 =	sld [smem:$0x3FAF]  }
0x28: {  	s2 =	sld [smem:$0x3FB0]  }
0x29: {  	s4 =	sld [smem:$0x3FB2]  }
0x2a: {  	p0 =	seq.s32 s5, $0x0;
	s5 =	sld [smem:$0x3FB3]  }
0x2b: {  	s6 =	sld [smem:$0x3FB4]  }
0x2c: {  	s7 =	sld [smem:$0x3FB5]  }
0x2d: {  	s3 =	simm.s32 $0x108;
	s8 =	sld [smem:$0x3FB6]  }
0x2e: {  	s3 =	simm.s32 @!p0 $0x1082;
	s9 =	sld [smem:$0x3FB7]  }
0x2f: {  	lr =	sadd.s32 s0, s3;
	s0 =	sld [smem:$0x3FAE]  }
0x30: {  	s3 =	sld [smem:$0x3FB1]  }
0x31: {  	[smem:$0x3FBA] =	sst s10  }
0x32: {  	s10 =	sld [smem:$0x3FB8];
	_ =	sdelay $0x3  }
0x33: {  	p0 =	seq.s32 s10, $0x1;
	s10 =	sld [smem:$0x3FBA];
	_ =	sdelay $0x3  }
0x34: {  	[smem:$0x3FBA] =	sst s10  }
0x35: {  	s10 =	sld [smem:$0x3FB9];
	_ =	sdelay $0x3  }
0x36: {  	p1 =	seq.s32 s10, $0x1;
	s10 =	sld [smem:$0x3FBA];
	_ =	sdelay $0x3  }
0x37: {  	[smem:$0x3FBA] =	sst s10  }
0x38: {  	s10 =	sld [smem:$0x3FBB]  }
0x39: {  	_ = 	snop;
	(pc) =	sbr.ind lr, $3  }
0x3a: {  	_ = 	snop  }
0x3b: {  	_ = 	snop  }
0x3c: {  	p2 =	seq.s32 s10, $0x1;
	s10 =	sld [smem:$0x3FBA]  }
0x3d: {  	_ =	shalt  }
0x3e: {  	_ =	shalt  }
0x3f: {  	_ =	shalt  }
0x40: {  	_ =	shalt  }
0x41: {  	_ =	shalt  }
0x42: {  	_ =	shalt  }
0x43: {  	_ =	shalt  }
0x44: {  	_ =	shalt  }
0x45: {  	_ =	shalt  }
0x46: {  	_ =	shalt  }
0x47: {  	_ =	shalt  }
0x48: {  	_ =	shalt  }
0x49: {  	_ =	shalt  }
0x4a: {  	_ =	shalt  }
0x4b: {  	_ =	shalt  }
0x4c: {  	_ =	shalt  }
0x4d: {  	_ =	shalt  }
0x4e: {  	_ =	shalt  }
0x4f: {  	_ =	shalt  }
0x50: {  	_ =	shalt  }
0x51: {  	_ =	shalt  }
0x52: {  	_ =	shalt  }
0x53: {  	_ =	shalt  }
0x54: {  	_ =	shalt  }
0x55: {  	_ =	shalt  }
0x56: {  	_ =	shalt  }
0x57: {  	_ =	shalt  }
0x58: {  	_ =	shalt  }
0x59: {  	_ =	shalt  }
0x5a: {  	_ =	shalt  }
0x5b: {  	_ =	shalt  }
0x5c: {  	_ =	shalt  }
0x5d: {  	_ =	shalt  }
0x5e: {  	_ =	shalt  }
0x5f: {  	_ =	shalt  }
0x60: {  	_ =	shalt  }
0x61: {  	_ =	shalt  }
0x62: {  	_ =	shalt  }
0x63: {  	_ =	shalt  }
0x64: {  	_ =	shalt  }
0x65: {  	_ =	shalt  }
0x66: {  	_ =	shalt  }
0x67: {  	_ =	shalt  }
0x68: {  	_ =	shalt  }
0x69: {  	_ =	shalt  }
0x6a: {  	_ =	shalt  }
0x6b: {  	_ =	shalt  }
0x6c: {  	_ =	shalt  }
0x6d: {  	_ =	shalt  }
0x6e: {  	_ =	shalt  }
0x6f: {  	_ =	shalt  }
0x70: {  	_ =	shalt  }
0x71: {  	_ =	shalt  }
0x72: {  	_ =	shalt  }
0x73: {  	_ =	shalt  }
0x74: {  	_ =	shalt  }
0x75: {  	_ =	shalt  }
0x76: {  	_ =	shalt  }
0x77: {  	_ =	shalt  }
0x78: {  	_ =	shalt  }
0x79: {  	_ =	shalt  }
0x7a: {  	_ =	shalt  }
0x7b: {  	_ =	shalt  }
0x7c: {  	_ =	shalt  }
0x7d: {  	_ =	shalt  }
0x7e: {  	_ =	shalt  }
0x7f: {  	_ =	shalt  }
0x80: {  	_ =	shalt  }
0x81: {  	_ =	shalt  }
0x82: {  	_ =	shalt  }
0x83: {  	_ =	shalt  }
0x84: {  	_ =	shalt  }
0x85: {  	_ =	shalt  }
0x86: {  	_ =	shalt  }
0x87: {  	_ =	shalt  }
.Lfunc_end0:
.L_simem_size_0:
called_computation_lowered:
.L_overlay_start_0:
0x88: {  	s2 =	sld [smem:$0x3FD9]  }
0x89: {  	s3 =	sld [smem:$0x3FFE];
	_ =	sdelay $0x1  }
0x8a: {  	s1 =	srdreg.scid  }
0x8b: {  	s0 =	sand.u32 $0x1, s1  }
0x8c: {  	s17 =	sshll.u32 s0, $0xA;
	s2 =	sadd.s32 s3, s2  }
0x8d: {  	s2 =	sadd.s32 s2, s17  }
0x8e: {  	[smem:$0x3FC6] =	sst s2  }
0x8f: {  	_ = 	snop  }
0x90: {  	s2 =	sld [smem:$0x3FC9]  }
0x91: {  	s18 =	sld [smem:$0x3FD0];
	(tm) =	ssettm $0x1  }
0x92: {  	s4 =	sld [smem:$0x3FFB];
	_ =	sdelay $0x3  }
0x93: {  	_ =	strace s4  }
0x94: {  	s4 =	sld [smem:$0x3FFC];
	_ =	sdelay $0x3  }
0x95: {  	_ =	strace s4  }
0x96: {  	s4 =	sld [smem:$0x3FFD];
	_ =	sdelay $0x3  }
0x97: {  	_ =	strace s4  }
0x98: {  	_ =	strace $0x8FFFFFFF  }
0x99: {  	s19 =	sld [smem:$0x3FDB];
	_ =	sdelay $0x1  }
0x9a: {  	s5 =	simm.s32 $_scs_section_size  }
0x9b: {  	s6 =	simm.s32 $_size__tile_overlayer_lowered;
	s7 =	simm.s32 $_tile_overlayer_lowered  }
0x9c: {  	s22 =	simm.s32 $0x1BFF;
	s21 =	sshll.u32 s7, $0x1;
	s4 =	sadd.s32 s5, s19  }
0x9d: {  	s8 =	simm.s32 $0x0;
	s20 =	sshll.u32 s6, $0x1;
	s6 =	sadd.s32 s21, s4  }
0x9e: {  	[timem:s8], [sflag:s22] =	dma.local [hbm:s6], s20  }
0x9f: {  	_ =	swait.ge [sflag:s22], s20  }
0xa0: {  	s5 =	ssub.s32 $0x0, s20;
	[sflag:s22] =	ssyncset.done $0x0  }
0xa1: {  	[sflag:s22] =	ssyncadd.s32 s5;
	_ =	sdelay $0x1  }
0xa2: {  	s23 =	simm.s32 $0x1B8B  }
0xa3: {  	_ =	swait.ge [sflag:s23], $0x1  }
0xa4: {  	[sflag:s23] =	ssyncset.done $0x0  }
0xa5: {  	s25 =	simm.s32 $0x1B8E;
	s24 =	sld [smem:$0x3FFE];
	[sflag:s23] =	ssyncadd.s32 $0xFFFFFFFF  }
0xa6: {  	s26 =	simm.s32 $execute0_lowered;
	[smem:$0x3FD2] =	sst s25  }
0xa7: {  	s6 =	sshll.u32 s26, $0x1;
	_ =	strace $0x80000046;
	[dreg:$0x1] =	wrdreg $0xFFFFFFFF  }
0xa8: {  	s28 =	simm.s32 $_size_execute0_lowered;
	s4 =	sadd.s32 s4, s6;
	[dreg:$0x0] =	wrdreg $0x0  }
0xa9: {  	s6 =	sshll.u32 s28, $0x1;
	[dreg:$0x2] =	wrdreg s4  }
0xaa: {  	[dreg:$0x3] =	wrdreg s6  }
0xab: {  	[dreg:$0x4] =	wrdreg $0xC0  }
0xac: {  	_ =	task [dreg:s8], $0x5FFFF  }
0xad: {  	[dreg:$0x1] =	wrdreg $0xFFFFFFFF  }
0xae: {  	[dreg:$0x0] =	wrdreg $0x60  }
0xaf: {  	[dreg:$0x2] =	wrdreg s2  }
0xb0: {  	[dreg:$0x3] =	wrdreg s18  }
0xb1: {  	[dreg:$0x4] =	wrdreg s24  }
0xb2: {  	[dreg:$0x5] =	wrdreg $0xA8000  }
0xb3: {  	[dreg:$0x6] =	wrdreg $0x144400  }
0xb4: {  	[dreg:$0x7] =	wrdreg $0x9  }
0xb5: {  	_ =	task.clear_ibuf [dreg:s8], $0x8FFFF;
	_ =	strace $0x90000046  }
0xb6: {  	s29 =	simm.s32 $0x9;
	_ =	strace $0x80000048  }
0xb7: {  	_ =	swait.ge [sflag:s29], $0x1  }
0xb8: {  	[sflag:s29] =	ssyncadd.s32 $0xFFFFFFFF  }
0xb9: {  	_ =	strace $0x90000048  }
0xba: {  	_ =	sfence  }
0xbb: {  	s30 =	sld [smem:$0x0];
	_ =	sdelay $0x2  }
0xbc: {  	s31 =	sshll.u32 s1, $0xD;
	s1 =	sshrl.u32 s1, $0x2  }
0xbd: {  	s3 =	sand.u32 $0x4000, s31;
	s1 =	sadd.s32 s1, s30  }
0xbe: {  	s0 =	sor.u32 s3, s0;
	s1 =	sshll.u32 s1, $0x11  }
0xbf: {  	s0 =	sor.u32 s1, s0  }
0xc0: {  	s0 =	sadd.s32 $0x8F2B, s0  }
0xc1: {  	[sflag:s0] =	ssyncadd.remote.s32 $0x1  }
0xc2: {  	_ =	sfence.sel $0xFFFF  }
0xc3: {  	[dreg:$0x0] =	wrdreg $0xFFFFFFFF;
	(pc) =	sbr.abs _section_cstart, $3  }
0xc4: {  	[dreg:$0x1] =	wrdreg $0xFFFFFFFF  }
0xc5: {  	_ =	task.clear_ibuf [dreg:s8], $0x2FFFF;
	_ =	strace $0x9FFFFFFF  }
0xc6: {  	(tm) =	ssettm $0x7FFFFFFF  }
0xc7: {  	_ =	shalt  }
tec
execute0_lowered:
.L_overlay_start_1:
0x0: {  	(tag) =	ssettag $0x1  }
0x1: {  	s0 =	rddreg [dreg:$0x0]  }
0x2: {  	s1 =	rddreg [dreg:$0x1]  }
0x3: {  	s5 =	rddreg [dreg:$0x2]  }
0x4: {  	s2 =	rddreg [dreg:$0x3]  }
0x5: {  	s4 =	srdreg.scid;
	s13 =	stileid.u32  }
0x6: {  	s3 =	rddreg [dreg:$0x4];
	s7 =	smul.u32 $0xA000, s13  }
0x7: {  	s28 =	simm.s32 $0x2800;
	s29 =	simm.s32 $0x2;
	s10 =	smul.u32 $0x13880, s13  }
0x8: {  	s30 =	simm.s32 $0x3;
	s31 =	simm.s32 $0x4;
	s12 =	smul.u32 $0x27100, s13  }
0x9: {  	s6 =	sand.u32 $0x1, s4;
	s4 =	simm.s32 $0x0;
	s23 =	smul.u32 $0x28000, s13  }
0xa: {  	s9 =	sadd.s32 $0x400, s5;
	s24 =	sshll.u32 s13, $0x6;
	s26 =	smul.u32 $0x5000, s13  }
0xb: {  	s8 =	smul.u32 $0xA0000, s6;
	[smem:$0x7FF] =	sst s4;
	s11 =	ssub.s32 $0x2, s6  }
0xc: {  	s6 =	sshll.u32 s6, $0x6;
	_ =	strace $0x80000047;
	s21 =	sshrl.u32 s11, $0x1  }
0xd: {  	s6 =	sor.u32 s6, s10;
	s22 =	sshrl.u32 s12, $0x2;
	s25 =	sshrl.u32 s23, $0x2  }
0xe: {  	s15 =	sshrl.u32 s26, $0x3;
	s12 =	simm.s32 $0x1500;
	s8 =	sadd.s32 s7, s8  }
0xf: {  	s6 =	sshrl.u32 s6, $0x3;
	s10 =	sadd.s32 s22, s2;
	s7 =	sadd.s32 s7, s3  }
0x10: {  	s13 =	sadd.s32 s25, s3;
	s17 =	sadd.s32 $0x280, s15;
	s18 =	sadd.s32 s1, s15  }
0x11: {  	s19 =	sadd.s32 s9, s15;
	s8 =	sshrl.u32 s8, $0x3;
	[dreg:$0xb] =	wrdreg s18  }
0x12: {  	s0 =	sadd.s32 s0, s6;
	s6 =	sor.u32 $0x1C09, s24;
	[dreg:$0xc] =	wrdreg s19  }
0x13: {  	s14 =	sadd.s32 $0x4000, s13;
	s16 =	sadd.s32 $0x6000, s13;
	[dreg:$0x6] =	wrdreg s0  }
0x14: {  	s20 =	sadd.s32 s1, s17;
	s18 =	simm.s32 $0x7;
	[dreg:$0x8] =	wrdreg s14  }
0x15: {  	s5 =	sadd.s32 s8, s5;
	s8 =	ssub.s32 s11, s21;
	[dreg:$0x9] =	wrdreg s16  }
0x16: {  	s11 =	sadd.s32 $0x2000, s13;
	s0 =	sadd.s32 $0x8000, s13;
	[dreg:$0xd] =	wrdreg s20  }
0x17: {  	s21 =	sadd.s32 $0x500, s15;
	s13 =	simm.s32 $0x5;
	[dreg:$0x7] =	wrdreg s11  }
0x18: {  	s14 =	simm.s32 $0x200;
	s16 =	simm.s32 $0x6;
	[dreg:$0xa] =	wrdreg s0  }
0x19: {  	s0 =	sadd.s32 s9, s17;
	s11 =	sadd.s32 $0x780, s15;
	s22 =	sadd.s32 s1, s21  }
0x1a: {  	s25 =	sadd.s32 $0xA400, s5;
	s26 =	smax.u32 s8, $0x1;
	s5 =	simm.s32 $0x100  }
0x1b: {  	s8 =	simm.s32 $0x6800;
	s15 =	simm.s32 $0x1580;
	[dreg:$0xe] =	wrdreg s0  }
0x1c: {  	s17 =	simm.s32 $0x280;
	[dreg:$0xf] =	wrdreg s22;
	s0 =	sadd.s32 s9, s21  }
0x1d: {  	s23 =	sadd.s32 s1, s11;
	s24 =	sadd.s32 s9, s11;
	[dreg:$0x13] =	wrdreg s25  }
.Ltmp0:
0x1e: {  	[dreg:$0x14] =	wrdreg s26;
	s22 =	sshrl.u32 s10, $0x3;
	(pc) =	sbr.rel .LBB2_1-.Ltmp0, $4  }
0x1f: {  	s26 =	simm.s32 $0x9;
	s1 =	simm.s32 $0x1400;
	[dreg:$0x10] =	wrdreg s0  }
0x20: {  	s25 =	simm.s32 $0x4800;
	s9 =	simm.s32 $0x1480;
	[dreg:$0x11] =	wrdreg s23  }
0x21: {  	s10 =	simm.s32 $0x180;
	s11 =	simm.s32 $0x8800;
	[dreg:$0x12] =	wrdreg s24  }
0x22: {  	v0 =	vimm.f32 $0.0e+00;
	s23 =	simm.s32 $0x1;
	s24 =	simm.s32 $0x8;
	s0 =	simm.s32 $0x80  }
.LBB2_17:
0x23: {  	_ =	swait.ge [sflag:s31], $0x2000  }
0x24: {  	[sflag:s31] =	ssyncset.done $0x0  }
0x25: {  	s19 =	sadd.s32 $0x1780, s20;
	[sflag:s31] =	ssyncadd.s32 $0xFFFFE000  }
0x26: {  	[spmem:s3] =	stream.indirect.scatter.add.f32 [tilespmem:s11], [sflag:$0x8], $0x40, s19, s0, $0xb8;
	[tilespmem:$0x1E440] =	vst v63  }
0x27: {  	_ =	swait.ge [sflag:s16], $0x2000  }
0x28: {  	[sflag:s16] =	ssyncset.done $0x0  }
0x29: {  	[sflag:s16] =	ssyncadd.s32 $0xFFFFE000  }
.LBB2_19:
0x2a: {  	_ =	swait.ge [sflag:s18], $0x2000  }
0x2b: {  	[sflag:s18] =	ssyncset.done $0x0  }
0x2c: {  	[sflag:s18] =	ssyncadd.s32 $0xFFFFE000  }
0x2d: {  	_ =	swait.ge [sflag:s24], $0x2000  }
0x2e: {  	[sflag:s24] =	ssyncset.done $0x0  }
0x2f: {  	[sflag:s24] =	ssyncadd.s32 $0xFFFFE000  }
0x30: {  	[bflag:$0x0] =	sbarrier.arrive $0xFFFF  }
0x31: {  	s19 =	sshrl.u32 s7, $0x3;
	s20 =	rddreg [dreg:$0x13]  }
0x32: {  	[hbm:s20], [sflag:s6] =	dma.local [spmem:s19], $0x1400  }
0x33: {  	_ =	swait.ge [sflag:s26], $0x1400  }
0x34: {  	s4 =	sadd.s32 $0x1, s4;
	s21 =	rddreg [dreg:$0x14]  }
0x35: {  	p0 =	sne.s32 s4, s21  }
.Ltmp1:
0x36: {  	_ = 	snop;
	(pc) =	sbr.rel @!p0 .LBB2_20-.Ltmp1, $3  }
0x37: {  	_ =	sdelay $0x1  }
0x38: {  	[sflag:s26] =	ssyncset.done $0x0  }
0x39: {  	[sflag:s26] =	ssyncadd.s32 $0xFFFFEC00  }
.LBB2_1:
0x3a: {  	s19 =	rddreg [dreg:$0x6];
	s20 =	simm.s32 $0x10  }
0x3b: {  	[spmem:s22@s24], [sflag:s6] =	dma.strided [hbm:s19@s20], $0x1388, s23, $0x8   }
0x3c: {  	_ =	swait.ge [sflag:s26], $0x1388  }
0x3d: {  	[sflag:s26] =	ssyncset.done $0x0  }
0x3e: {  	s20 =	simm.s32 $0x100;
	s19 =	simm.s32 $0x0;
	[sflag:s26] =	ssyncadd.s32 $0xFFFFEC78  }
.LBB2_2:
0x3f: {  	p0 =	sne.s32 s20, $0x7F00;
	[tilespmem:s19+$0x2830] =	vst v0;
	s21 =	smov.u32 s20;
	s20 =	sadd.s32 $0x100, s20  }
.Ltmp2:
0x40: {  	[tilespmem:s19+$0x2820] =	vst v0;
	(pc) =	sbr.rel @p0 .LBB2_2-.Ltmp2, $3  }
0x41: {  	[tilespmem:s19+$0x2800] =	vst v0  }
0x42: {  	[tilespmem:s19+$0x2810] =	vst v0;
	_ =	sdelay $0x1  }
0x43: {  	s19 =	sshra.s32 s21, $0x2  }
0x44: {  	[tilespmem:s19+$0x2830] =	vst v0  }
0x45: {  	[tilespmem:s19+$0x2820] =	vst v0  }
0x46: {  	[tilespmem:s19+$0x2800] =	vst v0  }
0x47: {  	[tilespmem:s19+$0x2810] =	vst v0  }
0x48: {  	[spmem:s7] =	stream.linear.scatter [tilespmem:s28], [sflag:$0x1], $0x2000, $0x38;
	[tilespmem:$0x1E440] =	vst v63  }
0x49: {  	s21 =	rddreg [dreg:$0x7]  }
0x4a: {  	[spmem:s21] =	stream.linear.scatter [tilespmem:s28], [sflag:$0x2], $0x2000, $0x38;
	[tilespmem:$0x1E440] =	vst v63  }
0x4b: {  	s20 =	rddreg [dreg:$0x8]  }
0x4c: {  	[spmem:s20] =	stream.linear.scatter [tilespmem:s28], [sflag:$0x3], $0x2000, $0x38;
	[tilespmem:$0x1E440] =	vst v63  }
0x4d: {  	s21 =	rddreg [dreg:$0x9]  }
0x4e: {  	[spmem:s21] =	stream.linear.scatter [tilespmem:s28], [sflag:$0x4], $0x2000, $0x38;
	[tilespmem:$0x1E440] =	vst v63  }
0x4f: {  	s20 =	rddreg [dreg:$0xa]  }
0x50: {  	[spmem:s20] =	stream.linear.scatter [tilespmem:s28], [sflag:$0x1], $0x2000, $0x38;
	[tilespmem:$0x1E440] =	vst v63  }
0x51: {  	_ =	swait.ge [sflag:s23], $0x2000  }
0x52: {  	[sflag:s23] =	ssyncset.done $0x0  }
0x53: {  	[sflag:s23] =	ssyncadd.s32 $0xFFFFE000  }
0x54: {  	_ =	swait.ge [sflag:s29], $0x2000  }
0x55: {  	[sflag:s29] =	ssyncset.done $0x0  }
0x56: {  	[sflag:s29] =	ssyncadd.s32 $0xFFFFE000  }
0x57: {  	_ =	swait.ge [sflag:s30], $0x2000  }
0x58: {  	[sflag:s30] =	ssyncset.done $0x0  }
0x59: {  	[sflag:s30] =	ssyncadd.s32 $0xFFFFE000  }
0x5a: {  	_ =	swait.ge [sflag:s31], $0x2000  }
0x5b: {  	[sflag:s31] =	ssyncset.done $0x0  }
0x5c: {  	[sflag:s31] =	ssyncadd.s32 $0xFFFFE000  }
0x5d: {  	_ =	swait.ge [sflag:s23], $0x2000  }
0x5e: {  	[sflag:s23] =	ssyncset.done $0x0  }
0x5f: {  	[sflag:s23] =	ssyncadd.s32 $0xFFFFE000  }
0x60: {  	[bflag:$0x0] =	sbarrier.arrive $0xFFFF  }
0x61: {  	s19 =	simm.s32 $0x0;
	s20 =	rddreg [dreg:$0xb]  }
0x62: {  	[tilespmem:s19], [sflag:$0x9] =	stream.linear.gather [hbm4b:s20+s19], $0x1400, $0x38;
	[tilespmem:$0x1E440] =	vst v63  }
0x63: {  	_ =	swait.ge [sflag:s26], $0x1400  }
0x64: {  	[sflag:s26] =	ssyncset.done $0x0  }
0x65: {  	s21 =	rddreg [dreg:$0xc];
	[sflag:s26] =	ssyncadd.s32 $0xFFFFEC00  }
0x66: {  	[tilespmem:s1], [sflag:$0x9] =	stream.linear.gather [hbm4b:s21+s19], $0x1400, $0x38;
	[tilespmem:$0x1E440] =	vst v63  }
0x67: {  	_ =	swait.ge [sflag:s26], $0x1400  }
0x68: {  	[sflag:s26] =	ssyncset.done $0x0  }
0x69: {  	[sflag:s26] =	ssyncadd.s32 $0xFFFFEC00  }
0x6a: {  	[tilespmem:s28], [sflag:$0x1] =	stream.indirect.gather [spmem:s2], $0x40, s19, s0, $0xb8;
	[tilespmem:$0x1E440] =	vst v63  }
0x6b: {  	_ = 	snop  }
0x6c: {  	[tilespmem:s25], [sflag:$0x2] =	stream.indirect.gather [spmem:s2], $0x40, s0, s0, $0xb8;
	[tilespmem:$0x1E440] =	vst v63  }
0x6d: {  	_ =	swait.ge [sflag:s23], $0x2000  }
0x6e: {  	[sflag:s23] =	ssyncset.done $0x0  }
0x6f: {  	[sflag:s23] =	ssyncadd.s32 $0xFFFFE000  }
0x70: {  	[spmem:s3] =	stream.indirect.scatter.add.f32 [tilespmem:s28], [sflag:$0x5], $0x40, s1, s0, $0xb8;
	[tilespmem:$0x1E440] =	vst v63  }
0x71: {  	_ = 	snop  }
0x72: {  	[tilespmem:s8], [sflag:$0x3] =	stream.indirect.gather [spmem:s2], $0x40, s5, s0, $0xb8;
	[tilespmem:$0x1E440] =	vst v63  }
0x73: {  	_ =	swait.ge [sflag:s29], $0x2000  }
0x74: {  	[sflag:s29] =	ssyncset.done $0x0  }
0x75: {  	[sflag:s29] =	ssyncadd.s32 $0xFFFFE000  }
0x76: {  	[spmem:s3] =	stream.indirect.scatter.add.f32 [tilespmem:s25], [sflag:$0x6], $0x40, s9, s0, $0xb8;
	[tilespmem:$0x1E440] =	vst v63  }
0x77: {  	_ = 	snop  }
0x78: {  	[tilespmem:s11], [sflag:$0x4] =	stream.indirect.gather [spmem:s2], $0x40, s10, s0, $0xb8;
	[tilespmem:$0x1E440] =	vst v63  }
0x79: {  	_ =	swait.ge [sflag:s30], $0x2000  }
0x7a: {  	[sflag:s30] =	ssyncset.done $0x0  }
0x7b: {  	[sflag:s30] =	ssyncadd.s32 $0xFFFFE000  }
0x7c: {  	[spmem:s3] =	stream.indirect.scatter.add.f32 [tilespmem:s8], [sflag:$0x7], $0x40, s12, s0, $0xb8;
	[tilespmem:$0x1E440] =	vst v63  }
0x7d: {  	_ =	swait.ge [sflag:s13], $0x2000  }
0x7e: {  	[sflag:s13] =	ssyncset.done $0x0  }
0x7f: {  	[sflag:s13] =	ssyncadd.s32 $0xFFFFE000  }
0x80: {  	[tilespmem:s28], [sflag:$0x1] =	stream.indirect.gather [spmem:s2], $0x40, s14, s0, $0xb8;
	[tilespmem:$0x1E440] =	vst v63  }
0x81: {  	_ =	swait.ge [sflag:s31], $0x2000  }
0x82: {  	[sflag:s31] =	ssyncset.done $0x0  }
0x83: {  	[sflag:s31] =	ssyncadd.s32 $0xFFFFE000  }
0x84: {  	[spmem:s3] =	stream.indirect.scatter.add.f32 [tilespmem:s11], [sflag:$0x8], $0x40, s15, s0, $0xb8;
	[tilespmem:$0x1E440] =	vst v63  }
0x85: {  	_ =	swait.ge [sflag:s16], $0x2000  }
0x86: {  	[sflag:s16] =	ssyncset.done $0x0  }
0x87: {  	[sflag:s16] =	ssyncadd.s32 $0xFFFFE000  }
0x88: {  	[tilespmem:s25], [sflag:$0x2] =	stream.indirect.gather [spmem:s2], $0x40, s17, s0, $0xb8;
	[tilespmem:$0x1E440] =	vst v63  }
.LBB2_4:
0x89: {  	_ =	swait.ge [sflag:s23], $0x2000  }
0x8a: {  	s20 =	sshra.s32 s19, $0x2;
	[sflag:s23] =	ssyncset.done $0x0  }
0x8b: {  	s21 =	sadd.s32 $0x1600, s20;
	[sflag:s23] =	ssyncadd.s32 $0xFFFFE000  }
0x8c: {  	[spmem:s3] =	stream.indirect.scatter.add.f32 [tilespmem:s28], [sflag:$0x5], $0x40, s21, s0, $0xb8;
	[tilespmem:$0x1E440] =	vst v63  }
0x8d: {  	_ =	swait.ge [sflag:s18], $0x2000  }
0x8e: {  	[sflag:s18] =	ssyncset.done $0x0  }
0x8f: {  	s21 =	sadd.s32 $0x300, s20;
	[sflag:s18] =	ssyncadd.s32 $0xFFFFE000  }
0x90: {  	[tilespmem:s8], [sflag:$0x3] =	stream.indirect.gather [spmem:s2], $0x40, s21, s0, $0xb8;
	[tilespmem:$0x1E440] =	vst v63  }
0x91: {  	_ =	swait.ge [sflag:s29], $0x2000  }
0x92: {  	[sflag:s29] =	ssyncset.done $0x0  }
0x93: {  	s21 =	sadd.s32 $0x1680, s20;
	[sflag:s29] =	ssyncadd.s32 $0xFFFFE000  }
0x94: {  	[spmem:s3] =	stream.indirect.scatter.add.f32 [tilespmem:s25], [sflag:$0x6], $0x40, s21, s0, $0xb8;
	[tilespmem:$0x1E440] =	vst v63  }
0x95: {  	_ =	swait.ge [sflag:s24], $0x2000  }
0x96: {  	[sflag:s24] =	ssyncset.done $0x0  }
0x97: {  	s21 =	sadd.s32 $0x380, s20;
	[sflag:s24] =	ssyncadd.s32 $0xFFFFE000  }
0x98: {  	[tilespmem:s11], [sflag:$0x4] =	stream.indirect.gather [spmem:s2], $0x40, s21, s0, $0xb8;
	[tilespmem:$0x1E440] =	vst v63  }
0x99: {  	_ =	swait.ge [sflag:s30], $0x2000  }
0x9a: {  	p0 =	sne.s32 s19, $0x4000;
	[sflag:s30] =	ssyncset.done $0x0  }
.Ltmp3:
0x9b: {  	s21 =	sadd.s32 $0x1700, s20;
	[sflag:s30] =	ssyncadd.s32 $0xFFFFE000;
	(pc) =	sbr.rel @!p0 .LBB2_5-.Ltmp3, $4  }
0x9c: {  	[spmem:s3] =	stream.indirect.scatter.add.f32 [tilespmem:s8], [sflag:$0x7], $0x40, s21, s0, $0xb8;
	[tilespmem:$0x1E440] =	vst v63  }
0x9d: {  	_ =	swait.ge [sflag:s13], $0x2000  }
0x9e: {  	[sflag:s13] =	ssyncset.done $0x0  }
0x9f: {  	[sflag:s13] =	ssyncadd.s32 $0xFFFFE000  }
0xa0: {  	s21 =	sadd.s32 $0x400, s20  }
0xa1: {  	[tilespmem:s28], [sflag:$0x1] =	stream.indirect.gather [spmem:s2], $0x40, s21, s0, $0xb8;
	[tilespmem:$0x1E440] =	vst v63  }
0xa2: {  	_ =	swait.ge [sflag:s31], $0x2000  }
0xa3: {  	s19 =	sadd.s32 $0x800, s19;
	[sflag:s31] =	ssyncset.done $0x0  }
0xa4: {  	s21 =	sadd.s32 $0x1780, s20;
	p0 =	sne.s32 s19, $0x4800;
	[sflag:s31] =	ssyncadd.s32 $0xFFFFE000  }
0xa5: {  	[spmem:s3] =	stream.indirect.scatter.add.f32 [tilespmem:s11], [sflag:$0x8], $0x40, s21, s0, $0xb8;
	[tilespmem:$0x1E440] =	vst v63  }
.Ltmp4:
0xa6: {  	_ = 	snop;
	(pc) =	sbr.rel @p0 .LBB2_4-.Ltmp4, $4  }
.Ltmp5:
0xa7: {  	_ =	swait.ge [sflag:s16], $0x2000;
	(pc) =	sbr.rel @!p0 .LBB2_7-.Ltmp5, $4  }
0xa8: {  	[sflag:s16] =	ssyncset.done $0x0  }
0xa9: {  	s21 =	sadd.s32 $0x480, s20;
	[sflag:s16] =	ssyncadd.s32 $0xFFFFE000  }
0xaa: {  	[tilespmem:s25], [sflag:$0x2] =	stream.indirect.gather [spmem:s2], $0x40, s21, s0, $0xb8;
	[tilespmem:$0x1E440] =	vst v63  }
0xab: {  	_ = 	snop  }
.LBB2_5:
0xac: {  	_ =	swait.ge [sflag:s31], $0x2000  }
0xad: {  	[sflag:s31] =	ssyncset.done $0x0  }
0xae: {  	s19 =	sadd.s32 $0x1780, s20;
	[sflag:s31] =	ssyncadd.s32 $0xFFFFE000  }
0xaf: {  	[spmem:s3] =	stream.indirect.scatter.add.f32 [tilespmem:s11], [sflag:$0x8], $0x40, s19, s0, $0xb8;
	[tilespmem:$0x1E440] =	vst v63  }
0xb0: {  	_ =	swait.ge [sflag:s16], $0x2000  }
0xb1: {  	[sflag:s16] =	ssyncset.done $0x0  }
0xb2: {  	[sflag:s16] =	ssyncadd.s32 $0xFFFFE000  }
.LBB2_7:
0xb3: {  	_ =	swait.ge [sflag:s18], $0x2000  }
0xb4: {  	[sflag:s18] =	ssyncset.done $0x0  }
0xb5: {  	[sflag:s18] =	ssyncadd.s32 $0xFFFFE000  }
0xb6: {  	_ =	swait.ge [sflag:s24], $0x2000  }
0xb7: {  	[sflag:s24] =	ssyncset.done $0x0  }
0xb8: {  	s19 =	simm.s32 $0x0;
	s20 =	rddreg [dreg:$0xd];
	[sflag:s24] =	ssyncadd.s32 $0xFFFFE000  }
0xb9: {  	[tilespmem:s19], [sflag:$0x9] =	stream.linear.gather [hbm4b:s20+s19], $0x1400, $0x38;
	[tilespmem:$0x1E440] =	vst v63  }
0xba: {  	_ =	swait.ge [sflag:s26], $0x1400  }
0xbb: {  	[sflag:s26] =	ssyncset.done $0x0  }
0xbc: {  	s21 =	rddreg [dreg:$0xe];
	[sflag:s26] =	ssyncadd.s32 $0xFFFFEC00  }
0xbd: {  	[tilespmem:s1], [sflag:$0x9] =	stream.linear.gather [hbm4b:s21+s19], $0x1400, $0x38;
	[tilespmem:$0x1E440] =	vst v63  }
0xbe: {  	_ =	swait.ge [sflag:s26], $0x1400  }
0xbf: {  	[sflag:s26] =	ssyncset.done $0x0  }
0xc0: {  	[sflag:s26] =	ssyncadd.s32 $0xFFFFEC00  }
0xc1: {  	[tilespmem:s28], [sflag:$0x1] =	stream.indirect.gather [spmem:s2], $0x40, s19, s0, $0xb8;
	[tilespmem:$0x1E440] =	vst v63  }
0xc2: {  	_ = 	snop  }
0xc3: {  	[tilespmem:s25], [sflag:$0x2] =	stream.indirect.gather [spmem:s2], $0x40, s0, s0, $0xb8;
	[tilespmem:$0x1E440] =	vst v63  }
0xc4: {  	_ =	swait.ge [sflag:s23], $0x2000  }
0xc5: {  	[sflag:s23] =	ssyncset.done $0x0  }
0xc6: {  	[sflag:s23] =	ssyncadd.s32 $0xFFFFE000  }
0xc7: {  	[spmem:s3] =	stream.indirect.scatter.add.f32 [tilespmem:s28], [sflag:$0x5], $0x40, s1, s0, $0xb8;
	[tilespmem:$0x1E440] =	vst v63  }
0xc8: {  	_ = 	snop  }
0xc9: {  	[tilespmem:s8], [sflag:$0x3] =	stream.indirect.gather [spmem:s2], $0x40, s5, s0, $0xb8;
	[tilespmem:$0x1E440] =	vst v63  }
0xca: {  	_ =	swait.ge [sflag:s29], $0x2000  }
0xcb: {  	[sflag:s29] =	ssyncset.done $0x0  }
0xcc: {  	[sflag:s29] =	ssyncadd.s32 $0xFFFFE000  }
0xcd: {  	[spmem:s3] =	stream.indirect.scatter.add.f32 [tilespmem:s25], [sflag:$0x6], $0x40, s9, s0, $0xb8;
	[tilespmem:$0x1E440] =	vst v63  }
0xce: {  	_ = 	snop  }
0xcf: {  	[tilespmem:s11], [sflag:$0x4] =	stream.indirect.gather [spmem:s2], $0x40, s10, s0, $0xb8;
	[tilespmem:$0x1E440] =	vst v63  }
0xd0: {  	_ =	swait.ge [sflag:s30], $0x2000  }
0xd1: {  	[sflag:s30] =	ssyncset.done $0x0  }
0xd2: {  	[sflag:s30] =	ssyncadd.s32 $0xFFFFE000  }
0xd3: {  	[spmem:s3] =	stream.indirect.scatter.add.f32 [tilespmem:s8], [sflag:$0x7], $0x40, s12, s0, $0xb8;
	[tilespmem:$0x1E440] =	vst v63  }
0xd4: {  	_ =	swait.ge [sflag:s13], $0x2000  }
0xd5: {  	[sflag:s13] =	ssyncset.done $0x0  }
0xd6: {  	[sflag:s13] =	ssyncadd.s32 $0xFFFFE000  }
0xd7: {  	[tilespmem:s28], [sflag:$0x1] =	stream.indirect.gather [spmem:s2], $0x40, s14, s0, $0xb8;
	[tilespmem:$0x1E440] =	vst v63  }
0xd8: {  	_ =	swait.ge [sflag:s31], $0x2000  }
0xd9: {  	[sflag:s31] =	ssyncset.done $0x0  }
0xda: {  	[sflag:s31] =	ssyncadd.s32 $0xFFFFE000  }
0xdb: {  	[spmem:s3] =	stream.indirect.scatter.add.f32 [tilespmem:s11], [sflag:$0x8], $0x40, s15, s0, $0xb8;
	[tilespmem:$0x1E440] =	vst v63  }
0xdc: {  	_ =	swait.ge [sflag:s16], $0x2000  }
0xdd: {  	[sflag:s16] =	ssyncset.done $0x0  }
0xde: {  	[sflag:s16] =	ssyncadd.s32 $0xFFFFE000  }
0xdf: {  	[tilespmem:s25], [sflag:$0x2] =	stream.indirect.gather [spmem:s2], $0x40, s17, s0, $0xb8;
	[tilespmem:$0x1E440] =	vst v63  }
.LBB2_8:
0xe0: {  	_ =	swait.ge [sflag:s23], $0x2000  }
0xe1: {  	s20 =	sshra.s32 s19, $0x2;
	[sflag:s23] =	ssyncset.done $0x0  }
0xe2: {  	s21 =	sadd.s32 $0x1600, s20;
	[sflag:s23] =	ssyncadd.s32 $0xFFFFE000  }
0xe3: {  	[spmem:s3] =	stream.indirect.scatter.add.f32 [tilespmem:s28], [sflag:$0x5], $0x40, s21, s0, $0xb8;
	[tilespmem:$0x1E440] =	vst v63  }
0xe4: {  	_ =	swait.ge [sflag:s18], $0x2000  }
0xe5: {  	[sflag:s18] =	ssyncset.done $0x0  }
0xe6: {  	s21 =	sadd.s32 $0x300, s20;
	[sflag:s18] =	ssyncadd.s32 $0xFFFFE000  }
0xe7: {  	[tilespmem:s8], [sflag:$0x3] =	stream.indirect.gather [spmem:s2], $0x40, s21, s0, $0xb8;
	[tilespmem:$0x1E440] =	vst v63  }
0xe8: {  	_ =	swait.ge [sflag:s29], $0x2000  }
0xe9: {  	[sflag:s29] =	ssyncset.done $0x0  }
0xea: {  	s21 =	sadd.s32 $0x1680, s20;
	[sflag:s29] =	ssyncadd.s32 $0xFFFFE000  }
0xeb: {  	[spmem:s3] =	stream.indirect.scatter.add.f32 [tilespmem:s25], [sflag:$0x6], $0x40, s21, s0, $0xb8;
	[tilespmem:$0x1E440] =	vst v63  }
0xec: {  	_ =	swait.ge [sflag:s24], $0x2000  }
0xed: {  	[sflag:s24] =	ssyncset.done $0x0  }
0xee: {  	s21 =	sadd.s32 $0x380, s20;
	[sflag:s24] =	ssyncadd.s32 $0xFFFFE000  }
0xef: {  	[tilespmem:s11], [sflag:$0x4] =	stream.indirect.gather [spmem:s2], $0x40, s21, s0, $0xb8;
	[tilespmem:$0x1E440] =	vst v63  }
0xf0: {  	_ =	swait.ge [sflag:s30], $0x2000  }
0xf1: {  	p0 =	sne.s32 s19, $0x4000;
	[sflag:s30] =	ssyncset.done $0x0  }
.Ltmp6:
0xf2: {  	s21 =	sadd.s32 $0x1700, s20;
	[sflag:s30] =	ssyncadd.s32 $0xFFFFE000;
	(pc) =	sbr.rel @!p0 .LBB2_9-.Ltmp6, $4  }
0xf3: {  	[spmem:s3] =	stream.indirect.scatter.add.f32 [tilespmem:s8], [sflag:$0x7], $0x40, s21, s0, $0xb8;
	[tilespmem:$0x1E440] =	vst v63  }
0xf4: {  	_ =	swait.ge [sflag:s13], $0x2000  }
0xf5: {  	[sflag:s13] =	ssyncset.done $0x0  }
0xf6: {  	[sflag:s13] =	ssyncadd.s32 $0xFFFFE000  }
0xf7: {  	s21 =	sadd.s32 $0x400, s20  }
0xf8: {  	[tilespmem:s28], [sflag:$0x1] =	stream.indirect.gather [spmem:s2], $0x40, s21, s0, $0xb8;
	[tilespmem:$0x1E440] =	vst v63  }
0xf9: {  	_ =	swait.ge [sflag:s31], $0x2000  }
0xfa: {  	s19 =	sadd.s32 $0x800, s19;
	[sflag:s31] =	ssyncset.done $0x0  }
0xfb: {  	s21 =	sadd.s32 $0x1780, s20;
	p0 =	sne.s32 s19, $0x4800;
	[sflag:s31] =	ssyncadd.s32 $0xFFFFE000  }
0xfc: {  	[spmem:s3] =	stream.indirect.scatter.add.f32 [tilespmem:s11], [sflag:$0x8], $0x40, s21, s0, $0xb8;
	[tilespmem:$0x1E440] =	vst v63  }
.Ltmp7:
0xfd: {  	_ = 	snop;
	(pc) =	sbr.rel @p0 .LBB2_8-.Ltmp7, $4  }
.Ltmp8:
0xfe: {  	_ =	swait.ge [sflag:s16], $0x2000;
	(pc) =	sbr.rel @!p0 .LBB2_11-.Ltmp8, $4  }
0xff: {  	[sflag:s16] =	ssyncset.done $0x0  }
0x100: {  	s21 =	sadd.s32 $0x480, s20;
	[sflag:s16] =	ssyncadd.s32 $0xFFFFE000  }
0x101: {  	[tilespmem:s25], [sflag:$0x2] =	stream.indirect.gather [spmem:s2], $0x40, s21, s0, $0xb8;
	[tilespmem:$0x1E440] =	vst v63  }
0x102: {  	_ = 	snop  }
.LBB2_9:
0x103: {  	_ =	swait.ge [sflag:s31], $0x2000  }
0x104: {  	[sflag:s31] =	ssyncset.done $0x0  }
0x105: {  	s19 =	sadd.s32 $0x1780, s20;
	[sflag:s31] =	ssyncadd.s32 $0xFFFFE000  }
0x106: {  	[spmem:s3] =	stream.indirect.scatter.add.f32 [tilespmem:s11], [sflag:$0x8], $0x40, s19, s0, $0xb8;
	[tilespmem:$0x1E440] =	vst v63  }
0x107: {  	_ =	swait.ge [sflag:s16], $0x2000  }
0x108: {  	[sflag:s16] =	ssyncset.done $0x0  }
0x109: {  	[sflag:s16] =	ssyncadd.s32 $0xFFFFE000  }
.LBB2_11:
0x10a: {  	_ =	swait.ge [sflag:s18], $0x2000  }
0x10b: {  	[sflag:s18] =	ssyncset.done $0x0  }
0x10c: {  	[sflag:s18] =	ssyncadd.s32 $0xFFFFE000  }
0x10d: {  	_ =	swait.ge [sflag:s24], $0x2000  }
0x10e: {  	[sflag:s24] =	ssyncset.done $0x0  }
0x10f: {  	s19 =	simm.s32 $0x0;
	s20 =	rddreg [dreg:$0xf];
	[sflag:s24] =	ssyncadd.s32 $0xFFFFE000  }
0x110: {  	[tilespmem:s19], [sflag:$0x9] =	stream.linear.gather [hbm4b:s20+s19], $0x1400, $0x38;
	[tilespmem:$0x1E440] =	vst v63  }
0x111: {  	_ =	swait.ge [sflag:s26], $0x1400  }
0x112: {  	[sflag:s26] =	ssyncset.done $0x0  }
0x113: {  	s21 =	rddreg [dreg:$0x10];
	[sflag:s26] =	ssyncadd.s32 $0xFFFFEC00  }
0x114: {  	[tilespmem:s1], [sflag:$0x9] =	stream.linear.gather [hbm4b:s21+s19], $0x1400, $0x38;
	[tilespmem:$0x1E440] =	vst v63  }
0x115: {  	_ =	swait.ge [sflag:s26], $0x1400  }
0x116: {  	[sflag:s26] =	ssyncset.done $0x0  }
0x117: {  	[sflag:s26] =	ssyncadd.s32 $0xFFFFEC00  }
0x118: {  	[tilespmem:s28], [sflag:$0x1] =	stream.indirect.gather [spmem:s2], $0x40, s19, s0, $0xb8;
	[tilespmem:$0x1E440] =	vst v63  }
0x119: {  	_ = 	snop  }
0x11a: {  	[tilespmem:s25], [sflag:$0x2] =	stream.indirect.gather [spmem:s2], $0x40, s0, s0, $0xb8;
	[tilespmem:$0x1E440] =	vst v63  }
0x11b: {  	_ =	swait.ge [sflag:s23], $0x2000  }
0x11c: {  	[sflag:s23] =	ssyncset.done $0x0  }
0x11d: {  	[sflag:s23] =	ssyncadd.s32 $0xFFFFE000  }
0x11e: {  	[spmem:s3] =	stream.indirect.scatter.add.f32 [tilespmem:s28], [sflag:$0x5], $0x40, s1, s0, $0xb8;
	[tilespmem:$0x1E440] =	vst v63  }
0x11f: {  	_ = 	snop  }
0x120: {  	[tilespmem:s8], [sflag:$0x3] =	stream.indirect.gather [spmem:s2], $0x40, s5, s0, $0xb8;
	[tilespmem:$0x1E440] =	vst v63  }
0x121: {  	_ =	swait.ge [sflag:s29], $0x2000  }
0x122: {  	[sflag:s29] =	ssyncset.done $0x0  }
0x123: {  	[sflag:s29] =	ssyncadd.s32 $0xFFFFE000  }
0x124: {  	[spmem:s3] =	stream.indirect.scatter.add.f32 [tilespmem:s25], [sflag:$0x6], $0x40, s9, s0, $0xb8;
	[tilespmem:$0x1E440] =	vst v63  }
0x125: {  	_ = 	snop  }
0x126: {  	[tilespmem:s11], [sflag:$0x4] =	stream.indirect.gather [spmem:s2], $0x40, s10, s0, $0xb8;
	[tilespmem:$0x1E440] =	vst v63  }
0x127: {  	_ =	swait.ge [sflag:s30], $0x2000  }
0x128: {  	[sflag:s30] =	ssyncset.done $0x0  }
0x129: {  	[sflag:s30] =	ssyncadd.s32 $0xFFFFE000  }
0x12a: {  	[spmem:s3] =	stream.indirect.scatter.add.f32 [tilespmem:s8], [sflag:$0x7], $0x40, s12, s0, $0xb8;
	[tilespmem:$0x1E440] =	vst v63  }
0x12b: {  	_ =	swait.ge [sflag:s13], $0x2000  }
0x12c: {  	[sflag:s13] =	ssyncset.done $0x0  }
0x12d: {  	[sflag:s13] =	ssyncadd.s32 $0xFFFFE000  }
0x12e: {  	[tilespmem:s28], [sflag:$0x1] =	stream.indirect.gather [spmem:s2], $0x40, s14, s0, $0xb8;
	[tilespmem:$0x1E440] =	vst v63  }
0x12f: {  	_ =	swait.ge [sflag:s31], $0x2000  }
0x130: {  	[sflag:s31] =	ssyncset.done $0x0  }
0x131: {  	[sflag:s31] =	ssyncadd.s32 $0xFFFFE000  }
0x132: {  	[spmem:s3] =	stream.indirect.scatter.add.f32 [tilespmem:s11], [sflag:$0x8], $0x40, s15, s0, $0xb8;
	[tilespmem:$0x1E440] =	vst v63  }
0x133: {  	_ =	swait.ge [sflag:s16], $0x2000  }
0x134: {  	[sflag:s16] =	ssyncset.done $0x0  }
0x135: {  	[sflag:s16] =	ssyncadd.s32 $0xFFFFE000  }
0x136: {  	[tilespmem:s25], [sflag:$0x2] =	stream.indirect.gather [spmem:s2], $0x40, s17, s0, $0xb8;
	[tilespmem:$0x1E440] =	vst v63  }
.LBB2_12:
0x137: {  	_ =	swait.ge [sflag:s23], $0x2000  }
0x138: {  	s20 =	sshra.s32 s19, $0x2;
	[sflag:s23] =	ssyncset.done $0x0  }
0x139: {  	s21 =	sadd.s32 $0x1600, s20;
	[sflag:s23] =	ssyncadd.s32 $0xFFFFE000  }
0x13a: {  	[spmem:s3] =	stream.indirect.scatter.add.f32 [tilespmem:s28], [sflag:$0x5], $0x40, s21, s0, $0xb8;
	[tilespmem:$0x1E440] =	vst v63  }
0x13b: {  	_ =	swait.ge [sflag:s18], $0x2000  }
0x13c: {  	[sflag:s18] =	ssyncset.done $0x0  }
0x13d: {  	s21 =	sadd.s32 $0x300, s20;
	[sflag:s18] =	ssyncadd.s32 $0xFFFFE000  }
0x13e: {  	[tilespmem:s8], [sflag:$0x3] =	stream.indirect.gather [spmem:s2], $0x40, s21, s0, $0xb8;
	[tilespmem:$0x1E440] =	vst v63  }
0x13f: {  	_ =	swait.ge [sflag:s29], $0x2000  }
0x140: {  	[sflag:s29] =	ssyncset.done $0x0  }
0x141: {  	s21 =	sadd.s32 $0x1680, s20;
	[sflag:s29] =	ssyncadd.s32 $0xFFFFE000  }
0x142: {  	[spmem:s3] =	stream.indirect.scatter.add.f32 [tilespmem:s25], [sflag:$0x6], $0x40, s21, s0, $0xb8;
	[tilespmem:$0x1E440] =	vst v63  }
0x143: {  	_ =	swait.ge [sflag:s24], $0x2000  }
0x144: {  	[sflag:s24] =	ssyncset.done $0x0  }
0x145: {  	s21 =	sadd.s32 $0x380, s20;
	[sflag:s24] =	ssyncadd.s32 $0xFFFFE000  }
0x146: {  	[tilespmem:s11], [sflag:$0x4] =	stream.indirect.gather [spmem:s2], $0x40, s21, s0, $0xb8;
	[tilespmem:$0x1E440] =	vst v63  }
0x147: {  	_ =	swait.ge [sflag:s30], $0x2000  }
0x148: {  	p0 =	sne.s32 s19, $0x4000;
	[sflag:s30] =	ssyncset.done $0x0  }
.Ltmp9:
0x149: {  	s21 =	sadd.s32 $0x1700, s20;
	[sflag:s30] =	ssyncadd.s32 $0xFFFFE000;
	(pc) =	sbr.rel @!p0 .LBB2_13-.Ltmp9, $4  }
0x14a: {  	[spmem:s3] =	stream.indirect.scatter.add.f32 [tilespmem:s8], [sflag:$0x7], $0x40, s21, s0, $0xb8;
	[tilespmem:$0x1E440] =	vst v63  }
0x14b: {  	_ =	swait.ge [sflag:s13], $0x2000  }
0x14c: {  	[sflag:s13] =	ssyncset.done $0x0  }
0x14d: {  	[sflag:s13] =	ssyncadd.s32 $0xFFFFE000  }
0x14e: {  	s21 =	sadd.s32 $0x400, s20  }
0x14f: {  	[tilespmem:s28], [sflag:$0x1] =	stream.indirect.gather [spmem:s2], $0x40, s21, s0, $0xb8;
	[tilespmem:$0x1E440] =	vst v63  }
0x150: {  	_ =	swait.ge [sflag:s31], $0x2000  }
0x151: {  	s19 =	sadd.s32 $0x800, s19;
	[sflag:s31] =	ssyncset.done $0x0  }
0x152: {  	s21 =	sadd.s32 $0x1780, s20;
	p0 =	sne.s32 s19, $0x4800;
	[sflag:s31] =	ssyncadd.s32 $0xFFFFE000  }
0x153: {  	[spmem:s3] =	stream.indirect.scatter.add.f32 [tilespmem:s11], [sflag:$0x8], $0x40, s21, s0, $0xb8;
	[tilespmem:$0x1E440] =	vst v63  }
.Ltmp10:
0x154: {  	_ = 	snop;
	(pc) =	sbr.rel @p0 .LBB2_12-.Ltmp10, $4  }
.Ltmp11:
0x155: {  	_ =	swait.ge [sflag:s16], $0x2000;
	(pc) =	sbr.rel @!p0 .LBB2_15-.Ltmp11, $4  }
0x156: {  	[sflag:s16] =	ssyncset.done $0x0  }
0x157: {  	s21 =	sadd.s32 $0x480, s20;
	[sflag:s16] =	ssyncadd.s32 $0xFFFFE000  }
0x158: {  	[tilespmem:s25], [sflag:$0x2] =	stream.indirect.gather [spmem:s2], $0x40, s21, s0, $0xb8;
	[tilespmem:$0x1E440] =	vst v63  }
0x159: {  	_ = 	snop  }
.LBB2_13:
0x15a: {  	_ =	swait.ge [sflag:s31], $0x2000  }
0x15b: {  	[sflag:s31] =	ssyncset.done $0x0  }
0x15c: {  	s19 =	sadd.s32 $0x1780, s20;
	[sflag:s31] =	ssyncadd.s32 $0xFFFFE000  }
0x15d: {  	[spmem:s3] =	stream.indirect.scatter.add.f32 [tilespmem:s11], [sflag:$0x8], $0x40, s19, s0, $0xb8;
	[tilespmem:$0x1E440] =	vst v63  }
0x15e: {  	_ =	swait.ge [sflag:s16], $0x2000  }
0x15f: {  	[sflag:s16] =	ssyncset.done $0x0  }
0x160: {  	[sflag:s16] =	ssyncadd.s32 $0xFFFFE000  }
.LBB2_15:
0x161: {  	_ =	swait.ge [sflag:s18], $0x2000  }
0x162: {  	[sflag:s18] =	ssyncset.done $0x0  }
0x163: {  	[sflag:s18] =	ssyncadd.s32 $0xFFFFE000  }
0x164: {  	_ =	swait.ge [sflag:s24], $0x2000  }
0x165: {  	[sflag:s24] =	ssyncset.done $0x0  }
0x166: {  	s19 =	simm.s32 $0x0;
	s20 =	rddreg [dreg:$0x11];
	[sflag:s24] =	ssyncadd.s32 $0xFFFFE000  }
0x167: {  	[tilespmem:s19], [sflag:$0x9] =	stream.linear.gather [hbm4b:s20+s19], $0x1400, $0x38;
	[tilespmem:$0x1E440] =	vst v63  }
0x168: {  	_ =	swait.ge [sflag:s26], $0x1400  }
0x169: {  	[sflag:s26] =	ssyncset.done $0x0  }
0x16a: {  	s21 =	rddreg [dreg:$0x12];
	[sflag:s26] =	ssyncadd.s32 $0xFFFFEC00  }
0x16b: {  	[tilespmem:s1], [sflag:$0x9] =	stream.linear.gather [hbm4b:s21+s19], $0x1400, $0x38;
	[tilespmem:$0x1E440] =	vst v63  }
0x16c: {  	_ =	swait.ge [sflag:s26], $0x1400  }
0x16d: {  	[sflag:s26] =	ssyncset.done $0x0  }
0x16e: {  	[sflag:s26] =	ssyncadd.s32 $0xFFFFEC00  }
0x16f: {  	[tilespmem:s28], [sflag:$0x1] =	stream.indirect.gather [spmem:s2], $0x40, s19, s0, $0xb8;
	[tilespmem:$0x1E440] =	vst v63  }
0x170: {  	_ = 	snop  }
0x171: {  	[tilespmem:s25], [sflag:$0x2] =	stream.indirect.gather [spmem:s2], $0x40, s0, s0, $0xb8;
	[tilespmem:$0x1E440] =	vst v63  }
0x172: {  	_ =	swait.ge [sflag:s23], $0x2000  }
0x173: {  	[sflag:s23] =	ssyncset.done $0x0  }
0x174: {  	[sflag:s23] =	ssyncadd.s32 $0xFFFFE000  }
0x175: {  	[spmem:s3] =	stream.indirect.scatter.add.f32 [tilespmem:s28], [sflag:$0x5], $0x40, s1, s0, $0xb8;
	[tilespmem:$0x1E440] =	vst v63  }
0x176: {  	_ = 	snop  }
0x177: {  	[tilespmem:s8], [sflag:$0x3] =	stream.indirect.gather [spmem:s2], $0x40, s5, s0, $0xb8;
	[tilespmem:$0x1E440] =	vst v63  }
0x178: {  	_ =	swait.ge [sflag:s29], $0x2000  }
0x179: {  	[sflag:s29] =	ssyncset.done $0x0  }
0x17a: {  	[sflag:s29] =	ssyncadd.s32 $0xFFFFE000  }
0x17b: {  	[spmem:s3] =	stream.indirect.scatter.add.f32 [tilespmem:s25], [sflag:$0x6], $0x40, s9, s0, $0xb8;
	[tilespmem:$0x1E440] =	vst v63  }
0x17c: {  	_ = 	snop  }
0x17d: {  	[tilespmem:s11], [sflag:$0x4] =	stream.indirect.gather [spmem:s2], $0x40, s10, s0, $0xb8;
	[tilespmem:$0x1E440] =	vst v63  }
0x17e: {  	_ =	swait.ge [sflag:s30], $0x2000  }
0x17f: {  	[sflag:s30] =	ssyncset.done $0x0  }
0x180: {  	[sflag:s30] =	ssyncadd.s32 $0xFFFFE000  }
0x181: {  	[spmem:s3] =	stream.indirect.scatter.add.f32 [tilespmem:s8], [sflag:$0x7], $0x40, s12, s0, $0xb8;
	[tilespmem:$0x1E440] =	vst v63  }
0x182: {  	_ =	swait.ge [sflag:s13], $0x2000  }
0x183: {  	[sflag:s13] =	ssyncset.done $0x0  }
0x184: {  	[sflag:s13] =	ssyncadd.s32 $0xFFFFE000  }
0x185: {  	[tilespmem:s28], [sflag:$0x1] =	stream.indirect.gather [spmem:s2], $0x40, s14, s0, $0xb8;
	[tilespmem:$0x1E440] =	vst v63  }
0x186: {  	_ =	swait.ge [sflag:s31], $0x2000  }
0x187: {  	[sflag:s31] =	ssyncset.done $0x0  }
0x188: {  	[sflag:s31] =	ssyncadd.s32 $0xFFFFE000  }
0x189: {  	[spmem:s3] =	stream.indirect.scatter.add.f32 [tilespmem:s11], [sflag:$0x8], $0x40, s15, s0, $0xb8;
	[tilespmem:$0x1E440] =	vst v63  }
0x18a: {  	_ =	swait.ge [sflag:s16], $0x2000  }
0x18b: {  	[sflag:s16] =	ssyncset.done $0x0  }
0x18c: {  	[sflag:s16] =	ssyncadd.s32 $0xFFFFE000  }
0x18d: {  	[tilespmem:s25], [sflag:$0x2] =	stream.indirect.gather [spmem:s2], $0x40, s17, s0, $0xb8;
	[tilespmem:$0x1E440] =	vst v63  }
.LBB2_16:
0x18e: {  	_ =	swait.ge [sflag:s23], $0x2000  }
0x18f: {  	s20 =	sshra.s32 s19, $0x2;
	[sflag:s23] =	ssyncset.done $0x0  }
0x190: {  	s21 =	sadd.s32 $0x1600, s20;
	[sflag:s23] =	ssyncadd.s32 $0xFFFFE000  }
0x191: {  	[spmem:s3] =	stream.indirect.scatter.add.f32 [tilespmem:s28], [sflag:$0x5], $0x40, s21, s0, $0xb8;
	[tilespmem:$0x1E440] =	vst v63  }
0x192: {  	_ =	swait.ge [sflag:s18], $0x2000  }
0x193: {  	[sflag:s18] =	ssyncset.done $0x0  }
0x194: {  	s21 =	sadd.s32 $0x300, s20;
	[sflag:s18] =	ssyncadd.s32 $0xFFFFE000  }
0x195: {  	[tilespmem:s8], [sflag:$0x3] =	stream.indirect.gather [spmem:s2], $0x40, s21, s0, $0xb8;
	[tilespmem:$0x1E440] =	vst v63  }
0x196: {  	_ =	swait.ge [sflag:s29], $0x2000  }
0x197: {  	[sflag:s29] =	ssyncset.done $0x0  }
0x198: {  	s21 =	sadd.s32 $0x1680, s20;
	[sflag:s29] =	ssyncadd.s32 $0xFFFFE000  }
0x199: {  	[spmem:s3] =	stream.indirect.scatter.add.f32 [tilespmem:s25], [sflag:$0x6], $0x40, s21, s0, $0xb8;
	[tilespmem:$0x1E440] =	vst v63  }
0x19a: {  	_ =	swait.ge [sflag:s24], $0x2000  }
0x19b: {  	[sflag:s24] =	ssyncset.done $0x0  }
0x19c: {  	s21 =	sadd.s32 $0x380, s20;
	[sflag:s24] =	ssyncadd.s32 $0xFFFFE000  }
0x19d: {  	[tilespmem:s11], [sflag:$0x4] =	stream.indirect.gather [spmem:s2], $0x40, s21, s0, $0xb8;
	[tilespmem:$0x1E440] =	vst v63  }
0x19e: {  	_ =	swait.ge [sflag:s30], $0x2000  }
0x19f: {  	p0 =	sne.s32 s19, $0x4000;
	[sflag:s30] =	ssyncset.done $0x0  }
.Ltmp12:
0x1a0: {  	s21 =	sadd.s32 $0x1700, s20;
	[sflag:s30] =	ssyncadd.s32 $0xFFFFE000;
	(pc) =	sbr.rel @!p0 .LBB2_17-.Ltmp12, $4  }
0x1a1: {  	[spmem:s3] =	stream.indirect.scatter.add.f32 [tilespmem:s8], [sflag:$0x7], $0x40, s21, s0, $0xb8;
	[tilespmem:$0x1E440] =	vst v63  }
0x1a2: {  	_ =	swait.ge [sflag:s13], $0x2000  }
0x1a3: {  	[sflag:s13] =	ssyncset.done $0x0  }
0x1a4: {  	[sflag:s13] =	ssyncadd.s32 $0xFFFFE000  }
0x1a5: {  	s21 =	sadd.s32 $0x400, s20  }
0x1a6: {  	[tilespmem:s28], [sflag:$0x1] =	stream.indirect.gather [spmem:s2], $0x40, s21, s0, $0xb8;
	[tilespmem:$0x1E440] =	vst v63  }
0x1a7: {  	_ =	swait.ge [sflag:s31], $0x2000  }
0x1a8: {  	s19 =	sadd.s32 $0x800, s19;
	[sflag:s31] =	ssyncset.done $0x0  }
0x1a9: {  	s21 =	sadd.s32 $0x1780, s20;
	p0 =	sne.s32 s19, $0x4800;
	[sflag:s31] =	ssyncadd.s32 $0xFFFFE000  }
0x1aa: {  	[spmem:s3] =	stream.indirect.scatter.add.f32 [tilespmem:s11], [sflag:$0x8], $0x40, s21, s0, $0xb8;
	[tilespmem:$0x1E440] =	vst v63  }
.Ltmp13:
0x1ab: {  	_ = 	snop;
	(pc) =	sbr.rel @p0 .LBB2_16-.Ltmp13, $4  }
.Ltmp14:
0x1ac: {  	_ =	swait.ge [sflag:s16], $0x2000;
	(pc) =	sbr.rel @!p0 .LBB2_19-.Ltmp14, $4  }
0x1ad: {  	[sflag:s16] =	ssyncset.done $0x0  }
0x1ae: {  	s21 =	sadd.s32 $0x480, s20;
	[sflag:s16] =	ssyncadd.s32 $0xFFFFE000  }
0x1af: {  	[tilespmem:s25], [sflag:$0x2] =	stream.indirect.gather [spmem:s2], $0x40, s21, s0, $0xb8;
	[tilespmem:$0x1E440] =	vst v63  }
0x1b0: {  	_ = 	snop  }
.LBB2_20:
0x1b1: {  	_ =	sfence.sel $0x180000  }
0x1b2: {  	[bflag:$0x0] =	sbarrier.arrive $0xFFFF  }
0x1b3: {  	_ =	strace $0x90000047  }
0x1b4: {  	s0 =	stileid.u32;
	[bflag:$0x2] =	sbarrier.arrive $0xFFFF  }
0x1b5: {  	p0 =	sne.s32 s0, $0x0;
	s0 =	rddreg [dreg:$0x5]  }
0x1b6: {  	s0 =	sadd.s32 @!p0 $0x100000, s0  }
0x1b7: {  	[sflag:s0] =	ssyncadd.tile.s32 @!p0 $0x1;
	_ =	shalt  }
.Lfunc_end2:
_tile_overlayer_lowered:
.L_overlay_start_2:
0x1b8: {  	(tag) =	ssettag $0x2  }
0x1b9: {  	s0 =	rddreg [dreg:$0x0];
	s2 =	stileid.u32  }
0x1ba: {  	s1 =	rddreg [dreg:$0x1];
	p0 =	sne.s32 s2, $0x0  }
0x1bb: {  	s3 =	rddreg [dreg:$0x2];
	[bflag:$0x3] =	sbarrier.arrive $0xFFFF;
	s2 =	simm.s32 @!p0 $0x1C09  }
0x1bc: {  	[timem:s3], [sflag:s2] =	dma.local @!p0 [hbm:s0], s1  }
0x1bd: {  	s0 =	simm.s32 @!p0 $0x9  }
0x1be: {  	_ =	swait.ge @!p0 [sflag:s0], s1  }
0x1bf: {  	s1 =	ssub.s32 @!p0 $0x0, s1;
	[sflag:s0] =	ssyncset.done @!p0 $0x0  }
0x1c0: {  	[sflag:s0] =	ssyncadd.s32 @!p0 s1  }
0x1c1: {  	[bflag:$0x3] =	sbarrier.arrive $0xFFFF  }
0x1c2: {  	_ =	shalt  }

</sc_bundles>
